<compile_context>
chip_gen: v7x
topology: tpu7x:2x2x1
jax: 0.10.2.dev20260603
libtpu: 0.0.44.dev20260713+nightly
codegen_flags: <defaults>
</compile_context>

<pallas_src>
import functools

import jax
import jax.numpy as jnp
from jax import lax
from jax.experimental import pallas as pl
from jax.experimental.pallas import tpu as pltpu
from jax.experimental.pallas import tpu_sc as plsc

N = 10000
E = 320000
D_IN = 128
D_H = 256
D_LAT = 128

NPAD = 10240
ROWB = 1024
GRID = NPAD // ROWB

NSUB = 16
NCORE = 2
CH = 128
NCH1 = 158
NCH2 = 80
ROWS_PER_SUB = NPAD // NSUB
DEG_W = NCORE * NSUB
DEG_PER_W = E // DEG_W

_SC_PARAMS = pltpu.CompilerParams(needs_layout_passes=False)


def _make_sc_deg(mesh):
    @functools.partial(
        pl.kernel,
        mesh=mesh,
        out_type=jax.ShapeDtypeStruct((DEG_W, NPAD), jnp.float32),
        compiler_params=_SC_PARAMS,
        scratch_types=[
            pltpu.VMEM((DEG_PER_W,), jnp.int32),
            pltpu.VMEM((NPAD,), jnp.float32),
        ],
    )
    def sc_deg(dst_hbm, out_hbm, dstv, acc):
        c = lax.axis_index("c")
        s = lax.axis_index("s")
        w = s * NCORE + c
        pltpu.sync_copy(dst_hbm.at[w], dstv)

        def zero_body(i, carry):
            acc[pl.ds(i * 16, 16)] = jnp.zeros((16,), jnp.float32)
            return carry

        lax.fori_loop(0, NPAD // 16, zero_body, None)

        ones = jnp.full((16,), 1.0, jnp.float32)

        def body(i, carry):
            idx = dstv[pl.ds(i * 16, 16)]
            plsc.addupdate_scatter(acc, [idx], ones)
            return carry

        lax.fori_loop(0, DEG_PER_W // 16, body, None)
        pltpu.sync_copy(acc, out_hbm.at[w])

    return sc_deg


def _agg_pipeline(idxp, g, tab, acc, ibufs, gbufs, isems, gsems, nch):
    for b in range(2):
        pltpu.async_copy(idxp.at[g, b], ibufs[b], isems[b])
    pltpu.make_async_copy(idxp.at[g, 0], ibufs[0], isems[0]).wait()
    pltpu.async_copy(tab.at[ibufs[0].at[0]], gbufs[0], gsems[0])

    def body(i, carry):
        for b in range(2):
            cc = 2 * i + b
            nb = 1 - b

            @pl.when(cc + 1 < nch)
            def _():
                pltpu.make_async_copy(idxp.at[g, cc + 1], ibufs[nb],
                                      isems[nb]).wait()
                pltpu.async_copy(tab.at[ibufs[nb].at[0]], gbufs[nb],
                                 gsems[nb])

            pltpu.make_async_copy(tab.at[ibufs[b].at[0]], gbufs[b],
                                  gsems[b]).wait()
            pltpu.sync_copy(gbufs[b], acc.at[ibufs[b].at[1]], add=True)

            @pl.when(cc + 2 < nch)
            def _():
                pltpu.async_copy(idxp.at[g, cc + 2], ibufs[b], isems[b])

        return carry

    lax.fori_loop(0, nch // 2, body, None)


def _agg_scratch():
    return [
        pltpu.VMEM((2, CH), jnp.int32),
        pltpu.VMEM((2, CH), jnp.int32),
        pltpu.VMEM((CH, D_IN), jnp.float32),
        pltpu.VMEM((CH, D_IN), jnp.float32),
        pltpu.VMEM_SHARED((NPAD, D_IN), jnp.float32),
        pltpu.SemaphoreType.DMA,
        pltpu.SemaphoreType.DMA,
        pltpu.SemaphoreType.DMA,
        pltpu.SemaphoreType.DMA,
    ]


def _make_sc_agg1(mesh):

    @functools.partial(
        pl.kernel,
        mesh=mesh,
        out_type=[
            jax.ShapeDtypeStruct((NPAD, D_IN), jnp.float32),
            jax.ShapeDtypeStruct((NPAD, D_IN), jnp.float32),
        ],
        compiler_params=_SC_PARAMS,
        scratch_types=_agg_scratch(),
    )
    def sc_agg1(idxp_hbm, taba_hbm, tabb_hbm, zeros_hbm,
                outa_hbm, outb_hbm,
                ibuf0, ibuf1, gbuf0, gbuf1, acc, is0, is1, gs0, gs1):
        c = lax.axis_index("c")
        s = lax.axis_index("s")
        row0 = s * ROWS_PER_SUB
        ibufs, gbufs = (ibuf0, ibuf1), (gbuf0, gbuf1)
        isems, gsems = (is0, is1), (gs0, gs1)

        pltpu.sync_copy(zeros_hbm.at[pl.ds(0, ROWS_PER_SUB)],
                        acc.at[pl.ds(row0, ROWS_PER_SUB)])
        plsc.subcore_barrier()

        def run(tab, outh):
            _agg_pipeline(idxp_hbm, s, tab, acc, ibufs, gbufs, isems,
                          gsems, NCH1)
            plsc.subcore_barrier()
            pltpu.sync_copy(acc.at[pl.ds(row0, ROWS_PER_SUB)],
                            outh.at[pl.ds(row0, ROWS_PER_SUB)])

        @pl.when(c == 0)
        def _():
            run(taba_hbm, outa_hbm)

        @pl.when(c == 1)
        def _():
            run(tabb_hbm, outb_hbm)

    return sc_agg1


def _make_sc_agg2(mesh):

    @functools.partial(
        pl.kernel,
        mesh=mesh,
        out_type=[
            jax.ShapeDtypeStruct((NPAD, D_IN), jnp.float32),
            jax.ShapeDtypeStruct((NPAD, D_IN), jnp.float32),
        ],
        compiler_params=_SC_PARAMS,
        scratch_types=_agg_scratch(),
    )
    def sc_agg2(idxp_hbm, tab_hbm, zeros_hbm, outa_hbm, outb_hbm,
                ibuf0, ibuf1, gbuf0, gbuf1, acc, is0, is1, gs0, gs1):
        c = lax.axis_index("c")
        s = lax.axis_index("s")
        w = s * NCORE + c
        row0 = s * ROWS_PER_SUB
        ibufs, gbufs = (ibuf0, ibuf1), (gbuf0, gbuf1)
        isems, gsems = (is0, is1), (gs0, gs1)

        pltpu.sync_copy(zeros_hbm.at[pl.ds(0, ROWS_PER_SUB)],
                        acc.at[pl.ds(row0, ROWS_PER_SUB)])
        plsc.subcore_barrier()

        _agg_pipeline(idxp_hbm, w, tab_hbm, acc, ibufs, gbufs, isems,
                      gsems, NCH2)
        plsc.subcore_barrier()

        @pl.when(c == 0)
        def _():
            pltpu.sync_copy(acc.at[pl.ds(row0, ROWS_PER_SUB)],
                            outa_hbm.at[pl.ds(row0, ROWS_PER_SUB)])

        @pl.when(c == 1)
        def _():
            pltpu.sync_copy(acc.at[pl.ds(row0, ROWS_PER_SUB)],
                            outb_hbm.at[pl.ds(row0, ROWS_PER_SUB)])

    return sc_agg2


_SC_CACHE = {}


def _sc_kernels():
    if not _SC_CACHE:
        mesh = plsc.VectorSubcoreMesh(core_axis_name="c", subcore_axis_name="s",
                                      num_cores=NCORE, num_subcores=NSUB)
        _SC_CACHE["deg"] = _make_sc_deg(mesh)
        _SC_CACHE["agg1"] = _make_sc_agg1(mesh)
        _SC_CACHE["agg2"] = _make_sc_agg2(mesh)
    return _SC_CACHE


def _dinv_of(degp):
    return lax.rsqrt(jnp.sum(degp, axis=0) + 1.0)


def _tc1_body(x_ref, w1_ref, degp_ref, ha_ref, hb_ref):
    dinv = _dinv_of(degp_ref[...])
    h = jnp.dot(x_ref[...], w1_ref[...], preferred_element_type=jnp.float32)
    hs = h * dinv[:, None]
    ha_ref[...] = hs[:, : D_H // 2]
    hb_ref[...] = hs[:, D_H // 2:]


def _tc2_body(a1a_ref, a1b_ref, h1a_ref, h1b_ref, degp_ref, b1_ref, w2_ref,
              o_ref):
    dinv = _dinv_of(degp_ref[...])
    b1 = b1_ref[...]
    za = jax.nn.relu((a1a_ref[...] + h1a_ref[...]) * dinv[:, None]
                     + b1[None, : D_H // 2])
    zb = jax.nn.relu((a1b_ref[...] + h1b_ref[...]) * dinv[:, None]
                     + b1[None, D_H // 2:])
    h2 = (jnp.dot(za, w2_ref[: D_H // 2, :],
                  preferred_element_type=jnp.float32)
          + jnp.dot(zb, w2_ref[D_H // 2:, :],
                    preferred_element_type=jnp.float32))
    o_ref[...] = h2 * dinv[:, None]


def _tc3_body(a2p0_ref, a2p1_ref, h2s_ref, degp_ref, b2_ref, o_ref):
    dinv = _dinv_of(degp_ref[...])
    o_ref[...] = ((a2p0_ref[...] + a2p1_ref[...] + h2s_ref[...])
                  * dinv[:, None] + b2_ref[...][None, :])


def _rows(shape_cols):
    return pl.BlockSpec((ROWB, shape_cols), lambda i: (i, 0))


def _full(shape):
    return pl.BlockSpec(shape, lambda i: tuple(0 for _ in shape))


_DEGP_SPEC = pl.BlockSpec((DEG_W, ROWB), lambda i: (0, i))

_tc1 = pl.pallas_call(
    _tc1_body,
    grid=(GRID,),
    in_specs=[_rows(D_IN), _full((D_IN, D_H)), _DEGP_SPEC],
    out_specs=[_rows(D_H // 2), _rows(D_H // 2)],
    out_shape=[
        jax.ShapeDtypeStruct((NPAD, D_H // 2), jnp.float32),
        jax.ShapeDtypeStruct((NPAD, D_H // 2), jnp.float32),
    ],
)

_tc2 = pl.pallas_call(
    _tc2_body,
    grid=(GRID,),
    in_specs=[_rows(D_H // 2)] * 4 + [_DEGP_SPEC, _full((D_H,)),
                                      _full((D_H, D_LAT))],
    out_specs=_rows(D_LAT),
    out_shape=jax.ShapeDtypeStruct((NPAD, D_LAT), jnp.float32),
)

_tc3 = pl.pallas_call(
    _tc3_body,
    grid=(GRID,),
    in_specs=[_rows(D_LAT), _rows(D_LAT), _rows(D_LAT), _DEGP_SPEC,
              _full((D_LAT,))],
    out_specs=_rows(D_LAT),
    out_shape=jax.ShapeDtypeStruct((NPAD, D_LAT), jnp.float32),
)


def _pack_idx(src, dst, groups, nch):
    pad = groups * nch * CH - E
    ar = jnp.arange(pad, dtype=jnp.int32)
    srcp = jnp.concatenate([src, ar % N])
    dstp = jnp.concatenate([dst, N + ar % (NPAD - N)])
    return jnp.stack([srcp.reshape(groups, nch, CH),
                      dstp.reshape(groups, nch, CH)], axis=2)


def kernel(x, edge_index, W1, b1, W2, b2):
    src = edge_index[0]
    dst = edge_index[1]

    sc = _sc_kernels()

    degp = sc["deg"](dst.reshape(DEG_W, DEG_PER_W))

    idx1 = _pack_idx(src, dst, NSUB, NCH1)
    idx2 = _pack_idx(src, dst, DEG_W, NCH2)

    xp = jnp.zeros((NPAD, D_IN), jnp.float32).at[:N].set(x)
    zeros_acc = jnp.zeros((NPAD, D_IN), jnp.float32)

    h1a, h1b = _tc1(xp, W1, degp)
    a1a, a1b = sc["agg1"](idx1, h1a, h1b, zeros_acc)
    h2s = _tc2(a1a, a1b, h1a, h1b, degp, b1, W2)
    a2p0, a2p1 = sc["agg2"](idx2, h2s, zeros_acc)
    out = _tc3(a2p0, a2p1, h2s, degp, b2)
    return out[:N]

# --- scband reference (transcript-rebuilt; emitter-appended) ---
"""Pipeline reference for scband-ooddetector-17514876634160 (READ-ONLY COPY).

The authoritative reference and input builder live on the scoring server;
editing this copy changes nothing except your own understanding.
"""

import jax, jax.numpy as jnp
import numpy as np

N = 10000
E = 320000
D_IN = 128
D_H = 256
D_LAT = 128


def gcn_conv(x, edge_index, W, b):
    # Faithful PyG GCNConv: add self-loops, symmetric normalization, aggregate at dst
    n = x.shape[0]
    src = edge_index[0]
    dst = edge_index[1]
    loop = jnp.arange(n, dtype=src.dtype)
    src = jnp.concatenate([src, loop])
    dst = jnp.concatenate([dst, loop])
    ones = jnp.ones(src.shape[0], dtype=x.dtype)
    deg = jnp.zeros(n, dtype=x.dtype).at[dst].add(ones)
    deg_inv_sqrt = jnp.where(deg > 0, 1.0 / jnp.sqrt(deg), 0.0)
    norm = deg_inv_sqrt[src] * deg_inv_sqrt[dst]
    h = x @ W
    msg = norm[:, None] * jnp.take(h, src, axis=0)
    out = jnp.zeros((n, W.shape[1]), dtype=x.dtype).at[dst].add(msg)
    return out + b


def setup_inputs(seed: int = 0) -> dict:
    key = jax.random.key(seed)
    k1, k2, k3, k4, k5, k6 = jax.random.split(key, 6)
    x = jax.random.normal(k1, (N, D_IN), dtype=jnp.float32)
    edge_index = jax.random.randint(k2, (2, E), 0, N, dtype=jnp.int32)
    W1 = jax.random.normal(k3, (D_IN, D_H), dtype=jnp.float32) * 0.05
    b1 = jnp.zeros((D_H,), dtype=jnp.float32)
    W2 = jax.random.normal(k4, (D_H, D_LAT), dtype=jnp.float32) * 0.05
    b2 = jnp.zeros((D_LAT,), dtype=jnp.float32)
    return {"x": x, "edge_index": edge_index, "W1": W1, "b1": b1, "W2": W2, "b2": b2}


def reference(x, edge_index, W1, b1, W2, b2):
    # OODDetector.forward -> encoder: GCNConv -> relu -> GCNConv
    z = jax.nn.relu(gcn_conv(x, edge_index, W1, b1))
    z = gcn_conv(z, edge_index, W2, b2)
    return z

if __name__ == "__main__":
    import jax
    _d = setup_inputs()
    print(jax.jit(kernel)(*tuple(_d.values())))

</pallas_src>

<mosaic_0001>
#map = affine_map<(d0, d1) -> (0, 0)>
module attributes {stable_mosaic.version = 14 : i64} {
  func.func @sc_deg(%arg0: i32, %arg1: i32, %arg2: memref<32x10000xi32, #tpu.memory_space<hbm>>, %arg3: memref<32x10240xf32, #tpu.memory_space<hbm>>, %arg4: memref<10000xi32, #tpu.memory_space<vmem>>, %arg5: memref<10240xf32, #tpu.memory_space<vmem>>) attributes {dimension_semantics = [#tpu.dimension_semantics<core_parallel>, #tpu.dimension_semantics<subcore_parallel>], iteration_bounds = array<i64: 2, 16>, scalar_prefetch = 0 : i64, scratch_operands = 2 : i64, tpu.core_type = #tpu.core_type<sc_vector_subcore>, window_params = [{transform_indices = #map}, {transform_indices = #map}]} {
    %mul3A = arith.constant 2 : i32
    %mul3A_0 = arith.muli %arg1, %mul3A : i32
    %add3A = arith.addi %mul3A_0, %arg0 : i32
    "tpu.region"() ({
      %run_scoped3A = tpu.sem_alloc : memref<!tpu.dma_semaphore, #tpu.memory_space<semaphore_mem>>
      %dma_start3A = arith.constant 0 : i32
      %dma_start3A_11 = tpu.memref_slice %arg2[%add3A, %dma_start3A] : memref<32x10000xi32, #tpu.memory_space<hbm>> -> memref<1x10000xi32, #tpu.memory_space<hbm>>
      %dma_start3A_12 = tpu.memref_squeeze %dma_start3A_11 : memref<1x10000xi32, #tpu.memory_space<hbm>> -> memref<10000xi32, #tpu.memory_space<hbm>>
      %dma_start3A_13 = arith.constant 0 : i32
      %dma_start3A_14 = tpu.memref_slice %arg2[%add3A, %dma_start3A_13] : memref<32x10000xi32, #tpu.memory_space<hbm>> -> memref<1x10000xi32, #tpu.memory_space<hbm>>
      %dma_start3A_15 = tpu.memref_squeeze %dma_start3A_14 : memref<1x10000xi32, #tpu.memory_space<hbm>> -> memref<10000xi32, #tpu.memory_space<hbm>>
      tpu.enqueue_dma source(%dma_start3A_15 : memref<10000xi32, #tpu.memory_space<hbm>>) target(%arg4 : memref<10000xi32, #tpu.memory_space<vmem>>) target_semaphore(%run_scoped3A : memref<!tpu.dma_semaphore, #tpu.memory_space<semaphore_mem>>)
      %dma_wait3A = arith.constant 0 : i32
      %dma_wait3A_16 = tpu.memref_slice %arg2[%add3A, %dma_wait3A] : memref<32x10000xi32, #tpu.memory_space<hbm>> -> memref<1x10000xi32, #tpu.memory_space<hbm>>
      %dma_wait3A_17 = tpu.memref_squeeze %dma_wait3A_16 : memref<1x10000xi32, #tpu.memory_space<hbm>> -> memref<10000xi32, #tpu.memory_space<hbm>>
      %dma_wait3A_18 = arith.constant 0 : i32
      %dma_wait3A_19 = tpu.memref_slice %arg2[%add3A, %dma_wait3A_18] : memref<32x10000xi32, #tpu.memory_space<hbm>> -> memref<1x10000xi32, #tpu.memory_space<hbm>>
      %dma_wait3A_20 = tpu.memref_squeeze %dma_wait3A_19 : memref<1x10000xi32, #tpu.memory_space<hbm>> -> memref<10000xi32, #tpu.memory_space<hbm>>
      tpu.wait_dma2 semaphore(%run_scoped3A : memref<!tpu.dma_semaphore, #tpu.memory_space<semaphore_mem>>) src(%dma_wait3A_20 : memref<10000xi32, #tpu.memory_space<hbm>>) dst(%arg4 : memref<10000xi32, #tpu.memory_space<vmem>>)
      tpu.yield
    }) : () -> ()
    %scan3A = arith.constant 0 : i32
    %scan3A_1 = arith.constant 640 : i32
    %scan3A_2 = arith.addi %scan3A, %scan3A_1 : i32
    %scan3A_3 = arith.constant 1 : i32
    scf.for %scan3A_11 = %scan3A to %scan3A_2 step %scan3A_3  : i32 {
      %broadcast_in_dim3A_12 = arith.constant 0.000000e+00 : f32
      %broadcast_in_dim3A_13 = vector.broadcast %broadcast_in_dim3A_12 : f32 to vector<16xf32>
      %mul3A_14 = arith.constant 16 : i32
      %mul3A_15 = arith.muli %scan3A_11, %mul3A_14 : i32
      %swap3A = arith.index_cast %mul3A_15 : i32 to index
      %swap3A_16 = tpu.vector_load %arg5[%swap3A] {strides = array<i32>} : memref<10240xf32, #tpu.memory_space<vmem>>, vector<16xf32>,
      tpu.vector_store %arg5[%swap3A], %broadcast_in_dim3A_13 {strides = array<i32>} : memref<10240xf32, #tpu.memory_space<vmem>>, vector<16xf32>,
    }
    %scan3A_4 = arith.constant 640 : i32
    %broadcast_in_dim3A = arith.constant 1.000000e+00 : f32
    %broadcast_in_dim3A_5 = vector.broadcast %broadcast_in_dim3A : f32 to vector<16xf32>
    %scan3A_6 = arith.constant 0 : i32
    %scan3A_7 = arith.constant 625 : i32
    %scan3A_8 = arith.addi %scan3A_6, %scan3A_7 : i32
    %scan3A_9 = arith.constant 1 : i32
    scf.for %scan3A_11 = %scan3A_6 to %scan3A_8 step %scan3A_9  : i32 {
      %mul3A_12 = arith.constant 16 : i32
      %mul3A_13 = arith.muli %scan3A_11, %mul3A_12 : i32
      %get3A = arith.index_cast %mul3A_13 : i32 to index
      %get3A_14 = tpu.vector_load %arg4[%get3A] {strides = array<i32>} : memref<10000xi32, #tpu.memory_space<vmem>>, vector<16xi32>,
      tpu.vector_store_idx %arg5[%get3A_14], %broadcast_in_dim3A_5 {add = true} : memref<10240xf32, #tpu.memory_space<vmem>>[vector<16xi32>], vector<16xf32>,
    }
    %scan3A_10 = arith.constant 625 : i32
    "tpu.region"() ({
      %run_scoped3A = tpu.sem_alloc : memref<!tpu.dma_semaphore, #tpu.memory_space<semaphore_mem>>
      %dma_start3A = arith.constant 0 : i32
      %dma_start3A_11 = tpu.memref_slice %arg3[%add3A, %dma_start3A] : memref<32x10240xf32, #tpu.memory_space<hbm>> -> memref<1x10240xf32, #tpu.memory_space<hbm>>
      %dma_start3A_12 = tpu.memref_squeeze %dma_start3A_11 : memref<1x10240xf32, #tpu.memory_space<hbm>> -> memref<10240xf32, #tpu.memory_space<hbm>>
      %dma_start3A_13 = arith.constant 0 : i32
      %dma_start3A_14 = tpu.memref_slice %arg3[%add3A, %dma_start3A_13] : memref<32x10240xf32, #tpu.memory_space<hbm>> -> memref<1x10240xf32, #tpu.memory_space<hbm>>
      %dma_start3A_15 = tpu.memref_squeeze %dma_start3A_14 : memref<1x10240xf32, #tpu.memory_space<hbm>> -> memref<10240xf32, #tpu.memory_space<hbm>>
      tpu.enqueue_dma source(%arg5 : memref<10240xf32, #tpu.memory_space<vmem>>) target(%dma_start3A_15 : memref<10240xf32, #tpu.memory_space<hbm>>) target_semaphore(%run_scoped3A : memref<!tpu.dma_semaphore, #tpu.memory_space<semaphore_mem>>)
      %dma_wait3A = arith.constant 0 : i32
      %dma_wait3A_16 = tpu.memref_slice %arg3[%add3A, %dma_wait3A] : memref<32x10240xf32, #tpu.memory_space<hbm>> -> memref<1x10240xf32, #tpu.memory_space<hbm>>
      %dma_wait3A_17 = tpu.memref_squeeze %dma_wait3A_16 : memref<1x10240xf32, #tpu.memory_space<hbm>> -> memref<10240xf32, #tpu.memory_space<hbm>>
      %dma_wait3A_18 = arith.constant 0 : i32
      %dma_wait3A_19 = tpu.memref_slice %arg3[%add3A, %dma_wait3A_18] : memref<32x10240xf32, #tpu.memory_space<hbm>> -> memref<1x10240xf32, #tpu.memory_space<hbm>>
      %dma_wait3A_20 = tpu.memref_squeeze %dma_wait3A_19 : memref<1x10240xf32, #tpu.memory_space<hbm>> -> memref<10240xf32, #tpu.memory_space<hbm>>
      tpu.wait_dma2 semaphore(%run_scoped3A : memref<!tpu.dma_semaphore, #tpu.memory_space<semaphore_mem>>) src(%arg5 : memref<10240xf32, #tpu.memory_space<vmem>>) dst(%dma_wait3A_20 : memref<10240xf32, #tpu.memory_space<hbm>>)
      tpu.yield
    }) : () -> ()
    return
  }
}

#map = affine_map<(d0, d1) -> (0, 0, 0, 0)>
#map1 = affine_map<(d0, d1) -> (0, 0)>
module attributes {stable_mosaic.version = 14 : i64} {
  func.func @sc_agg1(%arg0: i32, %arg1: i32, %arg2: memref<16x158x2x128xi32, #tpu.memory_space<hbm>>, %arg3: memref<10240x128xf32, #tpu.memory_space<hbm>>, %arg4: memref<10240x128xf32, #tpu.memory_space<hbm>>, %arg5: memref<10240x128xf32, #tpu.memory_space<hbm>>, %arg6: memref<10240x128xf32, #tpu.memory_space<hbm>>, %arg7: memref<10240x128xf32, #tpu.memory_space<hbm>>, %arg8: memref<2x128xi32, #tpu.memory_space<vmem>>, %arg9: memref<2x128xi32, #tpu.memory_space<vmem>>, %arg10: memref<128x128xf32, #tpu.memory_space<vmem>>, %arg11: memref<128x128xf32, #tpu.memory_space<vmem>>, %arg12: memref<10240x128xf32, #tpu.memory_space<vmem_shared>>, %arg13: memref<!tpu.dma_semaphore, #tpu.memory_space<semaphore_mem>>, %arg14: memref<!tpu.dma_semaphore, #tpu.memory_space<semaphore_mem>>, %arg15: memref<!tpu.dma_semaphore, #tpu.memory_space<semaphore_mem>>, %arg16: memref<!tpu.dma_semaphore, #tpu.memory_space<semaphore_mem>>) attributes {dimension_semantics = [#tpu.dimension_semantics<core_parallel>, #tpu.dimension_semantics<subcore_parallel>], iteration_bounds = array<i64: 2, 16>, scalar_prefetch = 0 : i64, scratch_operands = 9 : i64, tpu.core_type = #tpu.core_type<sc_vector_subcore>, window_params = [{transform_indices = #map}, {transform_indices = #map1}, {transform_indices = #map1}, {transform_indices = #map1}, {transform_indices = #map1}, {transform_indices = #map1}]} {
    %mul3A = arith.constant 640 : i32
    %mul3A_0 = arith.muli %arg1, %mul3A : i32
    "tpu.region"() ({
      %run_scoped3A = tpu.sem_alloc : memref<!tpu.dma_semaphore, #tpu.memory_space<semaphore_mem>>
      %dma_start3A = arith.constant 0 : i32
      %dma_start3A_8 = tpu.memref_slice %arg12[%mul3A_0, %dma_start3A] : memref<10240x128xf32, #tpu.memory_space<vmem_shared>> -> memref<640x128xf32, #tpu.memory_space<vmem_shared>>
      %dma_start3A_9 = arith.constant 0 : i32
      %dma_start3A_10 = arith.constant 0 : i32
      %dma_start3A_11 = tpu.memref_slice %arg5[%dma_start3A_9, %dma_start3A_10] : memref<10240x128xf32, #tpu.memory_space<hbm>> -> memref<640x128xf32, #tpu.memory_space<hbm>>
      tpu.enqueue_dma source(%dma_start3A_11 : memref<640x128xf32, #tpu.memory_space<hbm>>) target(%dma_start3A_8 : memref<640x128xf32, #tpu.memory_space<vmem_shared>>) target_semaphore(%run_scoped3A : memref<!tpu.dma_semaphore, #tpu.memory_space<semaphore_mem>>)
      %dma_wait3A = arith.constant 0 : i32
      %dma_wait3A_12 = tpu.memref_slice %arg12[%mul3A_0, %dma_wait3A] : memref<10240x128xf32, #tpu.memory_space<vmem_shared>> -> memref<640x128xf32, #tpu.memory_space<vmem_shared>>
      %dma_wait3A_13 = arith.constant 0 : i32
      %dma_wait3A_14 = arith.constant 0 : i32
      %dma_wait3A_15 = tpu.memref_slice %arg5[%dma_wait3A_13, %dma_wait3A_14] : memref<10240x128xf32, #tpu.memory_space<hbm>> -> memref<640x128xf32, #tpu.memory_space<hbm>>
      tpu.wait_dma2 semaphore(%run_scoped3A : memref<!tpu.dma_semaphore, #tpu.memory_space<semaphore_mem>>) src(%dma_wait3A_15 : memref<640x128xf32, #tpu.memory_space<hbm>>) dst(%dma_wait3A_12 : memref<640x128xf32, #tpu.memory_space<vmem_shared>>)
      tpu.yield
    }) : () -> ()
    %barrier3A = arith.constant 0 : index
    tpu.barrier barrier_id(%barrier3A)
    %eq3A = arith.constant 0 : i32
    %eq3A_1 = arith.cmpi eq, %arg0, %eq3A : i32
    %convert_element_type3A = arith.extui %eq3A_1 : i1 to i32
    %cond3A = arith.constant 0 : i32
    %cond3A_2 = arith.cmpi ne, %convert_element_type3A, %cond3A : i32
    scf.if %cond3A_2 {
      %dma_start3A = arith.constant 0 : i32
      %dma_start3A_8 = arith.constant 0 : i32
      %dma_start3A_9 = arith.constant 0 : i32
      %dma_start3A_10 = tpu.memref_slice %arg2[%arg1, %dma_start3A, %dma_start3A_8, %dma_start3A_9] : memref<16x158x2x128xi32, #tpu.memory_space<hbm>> -> memref<1x1x2x128xi32, #tpu.memory_space<hbm>>
      %dma_start3A_11 = tpu.memref_squeeze %dma_start3A_10 : memref<1x1x2x128xi32, #tpu.memory_space<hbm>> -> memref<2x128xi32, #tpu.memory_space<hbm>>
      %dma_start3A_12 = arith.constant 0 : i32
      %dma_start3A_13 = arith.constant 0 : i32
      %dma_start3A_14 = tpu.memref_slice %arg2[%arg1, %dma_start3A, %dma_start3A_12, %dma_start3A_13] : memref<16x158x2x128xi32, #tpu.memory_space<hbm>> -> memref<1x1x2x128xi32, #tpu.memory_space<hbm>>
      %dma_start3A_15 = tpu.memref_squeeze %dma_start3A_14 : memref<1x1x2x128xi32, #tpu.memory_space<hbm>> -> memref<2x128xi32, #tpu.memory_space<hbm>>
      tpu.enqueue_dma source(%dma_start3A_15 : memref<2x128xi32, #tpu.memory_space<hbm>>) target(%arg8 : memref<2x128xi32, #tpu.memory_space<vmem>>) target_semaphore(%arg13 : memref<!tpu.dma_semaphore, #tpu.memory_space<semaphore_mem>>)
      %dma_start3A_16 = arith.constant 1 : i32
      %dma_start3A_17 = arith.constant 0 : i32
      %dma_start3A_18 = arith.constant 0 : i32
      %dma_start3A_19 = tpu.memref_slice %arg2[%arg1, %dma_start3A_16, %dma_start3A_17, %dma_start3A_18] : memref<16x158x2x128xi32, #tpu.memory_space<hbm>> -> memref<1x1x2x128xi32, #tpu.memory_space<hbm>>
      %dma_start3A_20 = tpu.memref_squeeze %dma_start3A_19 : memref<1x1x2x128xi32, #tpu.memory_space<hbm>> -> memref<2x128xi32, #tpu.memory_space<hbm>>
      %dma_start3A_21 = arith.constant 0 : i32
      %dma_start3A_22 = arith.constant 0 : i32
      %dma_start3A_23 = tpu.memref_slice %arg2[%arg1, %dma_start3A_16, %dma_start3A_21, %dma_start3A_22] : memref<16x158x2x128xi32, #tpu.memory_space<hbm>> -> memref<1x1x2x128xi32, #tpu.memory_space<hbm>>
      %dma_start3A_24 = tpu.memref_squeeze %dma_start3A_23 : memref<1x1x2x128xi32, #tpu.memory_space<hbm>> -> memref<2x128xi32, #tpu.memory_space<hbm>>
      tpu.enqueue_dma source(%dma_start3A_24 : memref<2x128xi32, #tpu.memory_space<hbm>>) target(%arg9 : memref<2x128xi32, #tpu.memory_space<vmem>>) target_semaphore(%arg14 : memref<!tpu.dma_semaphore, #tpu.memory_space<semaphore_mem>>)
      %dma_wait3A = arith.constant 0 : i32
      %dma_wait3A_25 = arith.constant 0 : i32
      %dma_wait3A_26 = arith.constant 0 : i32
      %dma_wait3A_27 = tpu.memref_slice %arg2[%arg1, %dma_wait3A, %dma_wait3A_25, %dma_wait3A_26] : memref<16x158x2x128xi32, #tpu.memory_space<hbm>> -> memref<1x1x2x128xi32, #tpu.memory_space<hbm>>
      %dma_wait3A_28 = tpu.memref_squeeze %dma_wait3A_27 : memref<1x1x2x128xi32, #tpu.memory_space<hbm>> -> memref<2x128xi32, #tpu.memory_space<hbm>>
      %dma_wait3A_29 = arith.constant 0 : i32
      %dma_wait3A_30 = arith.constant 0 : i32
      %dma_wait3A_31 = tpu.memref_slice %arg2[%arg1, %dma_wait3A, %dma_wait3A_29, %dma_wait3A_30] : memref<16x158x2x128xi32, #tpu.memory_space<hbm>> -> memref<1x1x2x128xi32, #tpu.memory_space<hbm>>
      %dma_wait3A_32 = tpu.memref_squeeze %dma_wait3A_31 : memref<1x1x2x128xi32, #tpu.memory_space<hbm>> -> memref<2x128xi32, #tpu.memory_space<hbm>>
      tpu.wait_dma2 semaphore(%arg13 : memref<!tpu.dma_semaphore, #tpu.memory_space<semaphore_mem>>) src(%dma_wait3A_32 : memref<2x128xi32, #tpu.memory_space<hbm>>) dst(%arg8 : memref<2x128xi32, #tpu.memory_space<vmem>>)
      %dma_start3A_33 = arith.constant 0 : i32
      %dma_start3A_34 = arith.constant 0 : i32
      %dma_start3A_35 = tpu.memref_slice %arg8[%dma_start3A_33, %dma_start3A_34] : memref<2x128xi32, #tpu.memory_space<vmem>> -> memref<1x128xi32, #tpu.memory_space<vmem>>
      %dma_start3A_36 = tpu.memref_squeeze %dma_start3A_35 : memref<1x128xi32, #tpu.memory_space<vmem>> -> memref<128xi32, #tpu.memory_space<vmem>>
      %dma_start3A_37 = arith.constant 0 : i32
      %dma_start3A_38 = arith.constant 0 : i32
      %dma_start3A_39 = tpu.memref_slice %arg3[%dma_start3A_37, %dma_start3A_38] : memref<10240x128xf32, #tpu.memory_space<hbm>> -> memref<10240x128xf32, #tpu.memory_space<hbm>>
      tpu.enqueue_indirect_dma source(%dma_start3A_39 : memref<10240x128xf32, #tpu.memory_space<hbm>>) target(%arg10 : memref<128x128xf32, #tpu.memory_space<vmem>>) offsets(%dma_start3A_36 : memref<128xi32, #tpu.memory_space<vmem>>) semaphore(%arg15 : memref<!tpu.dma_semaphore, #tpu.memory_space<semaphore_mem>>)
      %scan3A = arith.constant 0 : i32
      %scan3A_40 = arith.constant 79 : i32
      %scan3A_41 = arith.addi %scan3A, %scan3A_40 : i32
      %scan3A_42 = arith.constant 1 : i32
      scf.for %scan3A_45 = %scan3A to %scan3A_41 step %scan3A_42  : i32 {
        %mul3A_46 = arith.constant 2 : i32
        %mul3A_47 = arith.muli %mul3A_46, %scan3A_45 : i32
        %add3A = arith.constant 0 : i32
        %add3A_48 = arith.addi %mul3A_47, %add3A : i32
        %add3A_49 = arith.constant 1 : i32
        %add3A_50 = arith.addi %add3A_48, %add3A_49 : i32
        %lt3A = arith.constant 158 : i32
        %lt3A_51 = arith.cmpi slt, %add3A_50, %lt3A : i32
        %convert_element_type3A_52 = arith.extui %lt3A_51 : i1 to i32
        %cond3A_53 = arith.constant 0 : i32
        %cond3A_54 = arith.cmpi ne, %convert_element_type3A_52, %cond3A_53 : i32
        scf.if %cond3A_54 {
          %add3A_95 = arith.constant 1 : i32
          %add3A_96 = arith.addi %add3A_48, %add3A_95 : i32
          %dma_wait3A_97 = arith.constant 0 : i32
          %dma_wait3A_98 = arith.constant 0 : i32
          %dma_wait3A_99 = tpu.memref_slice %arg2[%arg1, %add3A_96, %dma_wait3A_97, %dma_wait3A_98] : memref<16x158x2x128xi32, #tpu.memory_space<hbm>> -> memref<1x1x2x128xi32, #tpu.memory_space<hbm>>
          %dma_wait3A_100 = tpu.memref_squeeze %dma_wait3A_99 : memref<1x1x2x128xi32, #tpu.memory_space<hbm>> -> memref<2x128xi32, #tpu.memory_space<hbm>>
          %dma_wait3A_101 = arith.constant 0 : i32
          %dma_wait3A_102 = arith.constant 0 : i32
          %dma_wait3A_103 = tpu.memref_slice %arg2[%arg1, %add3A_96, %dma_wait3A_101, %dma_wait3A_102] : memref<16x158x2x128xi32, #tpu.memory_space<hbm>> -> memref<1x1x2x128xi32, #tpu.memory_space<hbm>>
          %dma_wait3A_104 = tpu.memref_squeeze %dma_wait3A_103 : memref<1x1x2x128xi32, #tpu.memory_space<hbm>> -> memref<2x128xi32, #tpu.memory_space<hbm>>
          tpu.wait_dma2 semaphore(%arg14 : memref<!tpu.dma_semaphore, #tpu.memory_space<semaphore_mem>>) src(%dma_wait3A_104 : memref<2x128xi32, #tpu.memory_space<hbm>>) dst(%arg9 : memref<2x128xi32, #tpu.memory_space<vmem>>)
          %dma_start3A_105 = arith.constant 0 : i32
          %dma_start3A_106 = arith.constant 0 : i32
          %dma_start3A_107 = tpu.memref_slice %arg9[%dma_start3A_105, %dma_start3A_106] : memref<2x128xi32, #tpu.memory_space<vmem>> -> memref<1x128xi32, #tpu.memory_space<vmem>>
          %dma_start3A_108 = tpu.memref_squeeze %dma_start3A_107 : memref<1x128xi32, #tpu.memory_space<vmem>> -> memref<128xi32, #tpu.memory_space<vmem>>
          %dma_start3A_109 = arith.constant 0 : i32
          %dma_start3A_110 = arith.constant 0 : i32
          %dma_start3A_111 = tpu.memref_slice %arg3[%dma_start3A_109, %dma_start3A_110] : memref<10240x128xf32, #tpu.memory_space<hbm>> -> memref<10240x128xf32, #tpu.memory_space<hbm>>
          tpu.enqueue_indirect_dma source(%dma_start3A_111 : memref<10240x128xf32, #tpu.memory_space<hbm>>) target(%arg11 : memref<128x128xf32, #tpu.memory_space<vmem>>) offsets(%dma_start3A_108 : memref<128xi32, #tpu.memory_space<vmem>>) semaphore(%arg16 : memref<!tpu.dma_semaphore, #tpu.memory_space<semaphore_mem>>)
        } else {
        }
        %dma_wait3A_55 = arith.constant 0 : i32
        %dma_wait3A_56 = arith.constant 0 : i32
        %dma_wait3A_57 = tpu.memref_slice %arg8[%dma_wait3A_55, %dma_wait3A_56] : memref<2x128xi32, #tpu.memory_space<vmem>> -> memref<1x128xi32, #tpu.memory_space<vmem>>
        %dma_wait3A_58 = tpu.memref_squeeze %dma_wait3A_57 : memref<1x128xi32, #tpu.memory_space<vmem>> -> memref<128xi32, #tpu.memory_space<vmem>>
        %dma_wait3A_59 = arith.constant 0 : i32
        %dma_wait3A_60 = arith.constant 0 : i32
        %dma_wait3A_61 = tpu.memref_slice %arg3[%dma_wait3A_59, %dma_wait3A_60] : memref<10240x128xf32, #tpu.memory_space<hbm>> -> memref<10240x128xf32, #tpu.memory_space<hbm>>
        tpu.wait_indirect_dma semaphore(%arg15 : memref<!tpu.dma_semaphore, #tpu.memory_space<semaphore_mem>>) src(%dma_wait3A_61 : memref<10240x128xf32, #tpu.memory_space<hbm>>) dst(%arg10 : memref<128x128xf32, #tpu.memory_space<vmem>>)
        %run_scoped3A = arith.constant 1 : i32
        "tpu.region"() ({
          %run_scoped3A_95 = tpu.sem_alloc : memref<!tpu.dma_semaphore, #tpu.memory_space<semaphore_mem>>
          %dma_start3A_96 = arith.constant 0 : i32
          %dma_start3A_97 = tpu.memref_slice %arg8[%run_scoped3A, %dma_start3A_96] : memref<2x128xi32, #tpu.memory_space<vmem>> -> memref<1x128xi32, #tpu.memory_space<vmem>>
          %dma_start3A_98 = tpu.memref_squeeze %dma_start3A_97 : memref<1x128xi32, #tpu.memory_space<vmem>> -> memref<128xi32, #tpu.memory_space<vmem>>
          %dma_start3A_99 = arith.constant 0 : i32
          %dma_start3A_100 = arith.constant 0 : i32
          %dma_start3A_101 = tpu.memref_slice %arg12[%dma_start3A_99, %dma_start3A_100] : memref<10240x128xf32, #tpu.memory_space<vmem_shared>> -> memref<10240x128xf32, #tpu.memory_space<vmem_shared>>
          tpu.enqueue_indirect_dma source(%arg10 : memref<128x128xf32, #tpu.memory_space<vmem>>) target(%dma_start3A_101 : memref<10240x128xf32, #tpu.memory_space<vmem_shared>>) offsets(%dma_start3A_98 : memref<128xi32, #tpu.memory_space<vmem>>) semaphore(%run_scoped3A_95 : memref<!tpu.dma_semaphore, #tpu.memory_space<semaphore_mem>>) {add = true}
          %dma_wait3A_102 = arith.constant 0 : i32
          %dma_wait3A_103 = tpu.memref_slice %arg8[%run_scoped3A, %dma_wait3A_102] : memref<2x128xi32, #tpu.memory_space<vmem>> -> memref<1x128xi32, #tpu.memory_space<vmem>>
          %dma_wait3A_104 = tpu.memref_squeeze %dma_wait3A_103 : memref<1x128xi32, #tpu.memory_space<vmem>> -> memref<128xi32, #tpu.memory_space<vmem>>
          %dma_wait3A_105 = arith.constant 0 : i32
          %dma_wait3A_106 = arith.constant 0 : i32
          %dma_wait3A_107 = tpu.memref_slice %arg12[%dma_wait3A_105, %dma_wait3A_106] : memref<10240x128xf32, #tpu.memory_space<vmem_shared>> -> memref<10240x128xf32, #tpu.memory_space<vmem_shared>>
          tpu.wait_indirect_dma semaphore(%run_scoped3A_95 : memref<!tpu.dma_semaphore, #tpu.memory_space<semaphore_mem>>) src(%arg10 : memref<128x128xf32, #tpu.memory_space<vmem>>) dst(%dma_wait3A_107 : memref<10240x128xf32, #tpu.memory_space<vmem_shared>>)
          tpu.yield
        }) : () -> ()
        %add3A_62 = arith.constant 2 : i32
        %add3A_63 = arith.addi %add3A_48, %add3A_62 : i32
        %lt3A_64 = arith.constant 158 : i32
        %lt3A_65 = arith.cmpi slt, %add3A_63, %lt3A_64 : i32
        %convert_element_type3A_66 = arith.extui %lt3A_65 : i1 to i32
        %cond3A_67 = arith.constant 0 : i32
        %cond3A_68 = arith.cmpi ne, %convert_element_type3A_66, %cond3A_67 : i32
        scf.if %cond3A_68 {
          %add3A_95 = arith.constant 2 : i32
          %add3A_96 = arith.addi %add3A_48, %add3A_95 : i32
          %dma_start3A_97 = arith.constant 0 : i32
          %dma_start3A_98 = arith.constant 0 : i32
          %dma_start3A_99 = tpu.memref_slice %arg2[%arg1, %add3A_96, %dma_start3A_97, %dma_start3A_98] : memref<16x158x2x128xi32, #tpu.memory_space<hbm>> -> memref<1x1x2x128xi32, #tpu.memory_space<hbm>>
          %dma_start3A_100 = tpu.memref_squeeze %dma_start3A_99 : memref<1x1x2x128xi32, #tpu.memory_space<hbm>> -> memref<2x128xi32, #tpu.memory_space<hbm>>
          %dma_start3A_101 = arith.constant 0 : i32
          %dma_start3A_102 = arith.constant 0 : i32
          %dma_start3A_103 = tpu.memref_slice %arg2[%arg1, %add3A_96, %dma_start3A_101, %dma_start3A_102] : memref<16x158x2x128xi32, #tpu.memory_space<hbm>> -> memref<1x1x2x128xi32, #tpu.memory_space<hbm>>
          %dma_start3A_104 = tpu.memref_squeeze %dma_start3A_103 : memref<1x1x2x128xi32, #tpu.memory_space<hbm>> -> memref<2x128xi32, #tpu.memory_space<hbm>>
          tpu.enqueue_dma source(%dma_start3A_104 : memref<2x128xi32, #tpu.memory_space<hbm>>) target(%arg8 : memref<2x128xi32, #tpu.memory_space<vmem>>) target_semaphore(%arg13 : memref<!tpu.dma_semaphore, #tpu.memory_space<semaphore_mem>>)
        } else {
        }
        %mul3A_69 = arith.constant 2 : i32
        %mul3A_70 = arith.muli %mul3A_69, %scan3A_45 : i32
        %add3A_71 = arith.constant 1 : i32
        %add3A_72 = arith.addi %mul3A_70, %add3A_71 : i32
        %add3A_73 = arith.constant 1 : i32
        %add3A_74 = arith.addi %add3A_72, %add3A_73 : i32
        %lt3A_75 = arith.constant 158 : i32
        %lt3A_76 = arith.cmpi slt, %add3A_74, %lt3A_75 : i32
        %convert_element_type3A_77 = arith.extui %lt3A_76 : i1 to i32
        %cond3A_78 = arith.constant 0 : i32
        %cond3A_79 = arith.cmpi ne, %convert_element_type3A_77, %cond3A_78 : i32
        scf.if %cond3A_79 {
          %add3A_95 = arith.constant 1 : i32
          %add3A_96 = arith.addi %add3A_72, %add3A_95 : i32
          %dma_wait3A_97 = arith.constant 0 : i32
          %dma_wait3A_98 = arith.constant 0 : i32
          %dma_wait3A_99 = tpu.memref_slice %arg2[%arg1, %add3A_96, %dma_wait3A_97, %dma_wait3A_98] : memref<16x158x2x128xi32, #tpu.memory_space<hbm>> -> memref<1x1x2x128xi32, #tpu.memory_space<hbm>>
          %dma_wait3A_100 = tpu.memref_squeeze %dma_wait3A_99 : memref<1x1x2x128xi32, #tpu.memory_space<hbm>> -> memref<2x128xi32, #tpu.memory_space<hbm>>
          %dma_wait3A_101 = arith.constant 0 : i32
          %dma_wait3A_102 = arith.constant 0 : i32
          %dma_wait3A_103 = tpu.memref_slice %arg2[%arg1, %add3A_96, %dma_wait3A_101, %dma_wait3A_102] : memref<16x158x2x128xi32, #tpu.memory_space<hbm>> -> memref<1x1x2x128xi32, #tpu.memory_space<hbm>>
          %dma_wait3A_104 = tpu.memref_squeeze %dma_wait3A_103 : memref<1x1x2x128xi32, #tpu.memory_space<hbm>> -> memref<2x128xi32, #tpu.memory_space<hbm>>
          tpu.wait_dma2 semaphore(%arg13 : memref<!tpu.dma_semaphore, #tpu.memory_space<semaphore_mem>>) src(%dma_wait3A_104 : memref<2x128xi32, #tpu.memory_space<hbm>>) dst(%arg8 : memref<2x128xi32, #tpu.memory_space<vmem>>)
          %dma_start3A_105 = arith.constant 0 : i32
          %dma_start3A_106 = arith.constant 0 : i32
          %dma_start3A_107 = tpu.memref_slice %arg8[%dma_start3A_105, %dma_start3A_106] : memref<2x128xi32, #tpu.memory_space<vmem>> -> memref<1x128xi32, #tpu.memory_space<vmem>>
          %dma_start3A_108 = tpu.memref_squeeze %dma_start3A_107 : memref<1x128xi32, #tpu.memory_space<vmem>> -> memref<128xi32, #tpu.memory_space<vmem>>
          %dma_start3A_109 = arith.constant 0 : i32
          %dma_start3A_110 = arith.constant 0 : i32
          %dma_start3A_111 = tpu.memref_slice %arg3[%dma_start3A_109, %dma_start3A_110] : memref<10240x128xf32, #tpu.memory_space<hbm>> -> memref<10240x128xf32, #tpu.memory_space<hbm>>
          tpu.enqueue_indirect_dma source(%dma_start3A_111 : memref<10240x128xf32, #tpu.memory_space<hbm>>) target(%arg10 : memref<128x128xf32, #tpu.memory_space<vmem>>) offsets(%dma_start3A_108 : memref<128xi32, #tpu.memory_space<vmem>>) semaphore(%arg15 : memref<!tpu.dma_semaphore, #tpu.memory_space<semaphore_mem>>)
        } else {
        }
        %dma_wait3A_80 = arith.constant 0 : i32
        %dma_wait3A_81 = arith.constant 0 : i32
        %dma_wait3A_82 = tpu.memref_slice %arg9[%dma_wait3A_80, %dma_wait3A_81] : memref<2x128xi32, #tpu.memory_space<vmem>> -> memref<1x128xi32, #tpu.memory_space<vmem>>
        %dma_wait3A_83 = tpu.memref_squeeze %dma_wait3A_82 : memref<1x128xi32, #tpu.memory_space<vmem>> -> memref<128xi32, #tpu.memory_space<vmem>>
        %dma_wait3A_84 = arith.constant 0 : i32
        %dma_wait3A_85 = arith.constant 0 : i32
        %dma_wait3A_86 = tpu.memref_slice %arg3[%dma_wait3A_84, %dma_wait3A_85] : memref<10240x128xf32, #tpu.memory_space<hbm>> -> memref<10240x128xf32, #tpu.memory_space<hbm>>
        tpu.wait_indirect_dma semaphore(%arg16 : memref<!tpu.dma_semaphore, #tpu.memory_space<semaphore_mem>>) src(%dma_wait3A_86 : memref<10240x128xf32, #tpu.memory_space<hbm>>) dst(%arg11 : memref<128x128xf32, #tpu.memory_space<vmem>>)
        %run_scoped3A_87 = arith.constant 1 : i32
        "tpu.region"() ({
          %run_scoped3A_95 = tpu.sem_alloc : memref<!tpu.dma_semaphore, #tpu.memory_space<semaphore_mem>>
          %dma_start3A_96 = arith.constant 0 : i32
          %dma_start3A_97 = tpu.memref_slice %arg9[%run_scoped3A_87, %dma_start3A_96] : memref<2x128xi32, #tpu.memory_space<vmem>> -> memref<1x128xi32, #tpu.memory_space<vmem>>
          %dma_start3A_98 = tpu.memref_squeeze %dma_start3A_97 : memref<1x128xi32, #tpu.memory_space<vmem>> -> memref<128xi32, #tpu.memory_space<vmem>>
          %dma_start3A_99 = arith.constant 0 : i32
          %dma_start3A_100 = arith.constant 0 : i32
          %dma_start3A_101 = tpu.memref_slice %arg12[%dma_start3A_99, %dma_start3A_100] : memref<10240x128xf32, #tpu.memory_space<vmem_shared>> -> memref<10240x128xf32, #tpu.memory_space<vmem_shared>>
          tpu.enqueue_indirect_dma source(%arg11 : memref<128x128xf32, #tpu.memory_space<vmem>>) target(%dma_start3A_101 : memref<10240x128xf32, #tpu.memory_space<vmem_shared>>) offsets(%dma_start3A_98 : memref<128xi32, #tpu.memory_space<vmem>>) semaphore(%run_scoped3A_95 : memref<!tpu.dma_semaphore, #tpu.memory_space<semaphore_mem>>) {add = true}
          %dma_wait3A_102 = arith.constant 0 : i32
          %dma_wait3A_103 = tpu.memref_slice %arg9[%run_scoped3A_87, %dma_wait3A_102] : memref<2x128xi32, #tpu.memory_space<vmem>> -> memref<1x128xi32, #tpu.memory_space<vmem>>
          %dma_wait3A_104 = tpu.memref_squeeze %dma_wait3A_103 : memref<1x128xi32, #tpu.memory_space<vmem>> -> memref<128xi32, #tpu.memory_space<vmem>>
          %dma_wait3A_105 = arith.constant 0 : i32
          %dma_wait3A_106 = arith.constant 0 : i32
          %dma_wait3A_107 = tpu.memref_slice %arg12[%dma_wait3A_105, %dma_wait3A_106] : memref<10240x128xf32, #tpu.memory_space<vmem_shared>> -> memref<10240x128xf32, #tpu.memory_space<vmem_shared>>
          tpu.wait_indirect_dma semaphore(%run_scoped3A_95 : memref<!tpu.dma_semaphore, #tpu.memory_space<semaphore_mem>>) src(%arg11 : memref<128x128xf32, #tpu.memory_space<vmem>>) dst(%dma_wait3A_107 : memref<10240x128xf32, #tpu.memory_space<vmem_shared>>)
          tpu.yield
        }) : () -> ()
        %add3A_88 = arith.constant 2 : i32
        %add3A_89 = arith.addi %add3A_72, %add3A_88 : i32
        %lt3A_90 = arith.constant 158 : i32
        %lt3A_91 = arith.cmpi slt, %add3A_89, %lt3A_90 : i32
        %convert_element_type3A_92 = arith.extui %lt3A_91 : i1 to i32
        %cond3A_93 = arith.constant 0 : i32
        %cond3A_94 = arith.cmpi ne, %convert_element_type3A_92, %cond3A_93 : i32
        scf.if %cond3A_94 {
          %add3A_95 = arith.constant 2 : i32
          %add3A_96 = arith.addi %add3A_72, %add3A_95 : i32
          %dma_start3A_97 = arith.constant 0 : i32
          %dma_start3A_98 = arith.constant 0 : i32
          %dma_start3A_99 = tpu.memref_slice %arg2[%arg1, %add3A_96, %dma_start3A_97, %dma_start3A_98] : memref<16x158x2x128xi32, #tpu.memory_space<hbm>> -> memref<1x1x2x128xi32, #tpu.memory_space<hbm>>
          %dma_start3A_100 = tpu.memref_squeeze %dma_start3A_99 : memref<1x1x2x128xi32, #tpu.memory_space<hbm>> -> memref<2x128xi32, #tpu.memory_space<hbm>>
          %dma_start3A_101 = arith.constant 0 : i32
          %dma_start3A_102 = arith.constant 0 : i32
          %dma_start3A_103 = tpu.memref_slice %arg2[%arg1, %add3A_96, %dma_start3A_101, %dma_start3A_102] : memref<16x158x2x128xi32, #tpu.memory_space<hbm>> -> memref<1x1x2x128xi32, #tpu.memory_space<hbm>>
          %dma_start3A_104 = tpu.memref_squeeze %dma_start3A_103 : memref<1x1x2x128xi32, #tpu.memory_space<hbm>> -> memref<2x128xi32, #tpu.memory_space<hbm>>
          tpu.enqueue_dma source(%dma_start3A_104 : memref<2x128xi32, #tpu.memory_space<hbm>>) target(%arg9 : memref<2x128xi32, #tpu.memory_space<vmem>>) target_semaphore(%arg14 : memref<!tpu.dma_semaphore, #tpu.memory_space<semaphore_mem>>)
        } else {
        }
      }
      %scan3A_43 = arith.constant 79 : i32
      %barrier3A_44 = arith.constant 0 : index
      tpu.barrier barrier_id(%barrier3A_44)
      "tpu.region"() ({
        %run_scoped3A = tpu.sem_alloc : memref<!tpu.dma_semaphore, #tpu.memory_space<semaphore_mem>>
        %dma_start3A_45 = arith.constant 0 : i32
        %dma_start3A_46 = tpu.memref_slice %arg6[%mul3A_0, %dma_start3A_45] : memref<10240x128xf32, #tpu.memory_space<hbm>> -> memref<640x128xf32, #tpu.memory_space<hbm>>
        %dma_start3A_47 = arith.constant 0 : i32
        %dma_start3A_48 = tpu.memref_slice %arg12[%mul3A_0, %dma_start3A_47] : memref<10240x128xf32, #tpu.memory_space<vmem_shared>> -> memref<640x128xf32, #tpu.memory_space<vmem_shared>>
        tpu.enqueue_dma source(%dma_start3A_48 : memref<640x128xf32, #tpu.memory_space<vmem_shared>>) target(%dma_start3A_46 : memref<640x128xf32, #tpu.memory_space<hbm>>) target_semaphore(%run_scoped3A : memref<!tpu.dma_semaphore, #tpu.memory_space<semaphore_mem>>)
        %dma_wait3A_49 = arith.constant 0 : i32
        %dma_wait3A_50 = tpu.memref_slice %arg6[%mul3A_0, %dma_wait3A_49] : memref<10240x128xf32, #tpu.memory_space<hbm>> -> memref<640x128xf32, #tpu.memory_space<hbm>>
        %dma_wait3A_51 = arith.constant 0 : i32
        %dma_wait3A_52 = tpu.memref_slice %arg12[%mul3A_0, %dma_wait3A_51] : memref<10240x128xf32, #tpu.memory_space<vmem_shared>> -> memref<640x128xf32, #tpu.memory_space<vmem_shared>>
        tpu.wait_dma2 semaphore(%run_scoped3A : memref<!tpu.dma_semaphore, #tpu.memory_space<semaphore_mem>>) src(%dma_wait3A_52 : memref<640x128xf32, #tpu.memory_space<vmem_shared>>) dst(%dma_wait3A_50 : memref<640x128xf32, #tpu.memory_space<hbm>>)
        tpu.yield
      }) : () -> ()
    } else {
    }
    %eq3A_3 = arith.constant 1 : i32
    %eq3A_4 = arith.cmpi eq, %arg0, %eq3A_3 : i32
    %convert_element_type3A_5 = arith.extui %eq3A_4 : i1 to i32
    %cond3A_6 = arith.constant 0 : i32
    %cond3A_7 = arith.cmpi ne, %convert_element_type3A_5, %cond3A_6 : i32
    scf.if %cond3A_7 {
      %dma_start3A = arith.constant 0 : i32
      %dma_start3A_8 = arith.constant 0 : i32
      %dma_start3A_9 = arith.constant 0 : i32
      %dma_start3A_10 = tpu.memref_slice %arg2[%arg1, %dma_start3A, %dma_start3A_8, %dma_start3A_9] : memref<16x158x2x128xi32, #tpu.memory_space<hbm>> -> memref<1x1x2x128xi32, #tpu.memory_space<hbm>>
      %dma_start3A_11 = tpu.memref_squeeze %dma_start3A_10 : memref<1x1x2x128xi32, #tpu.memory_space<hbm>> -> memref<2x128xi32, #tpu.memory_space<hbm>>
      %dma_start3A_12 = arith.constant 0 : i32
      %dma_start3A_13 = arith.constant 0 : i32
      %dma_start3A_14 = tpu.memref_slice %arg2[%arg1, %dma_start3A, %dma_start3A_12, %dma_start3A_13] : memref<16x158x2x128xi32, #tpu.memory_space<hbm>> -> memref<1x1x2x128xi32, #tpu.memory_space<hbm>>
      %dma_start3A_15 = tpu.memref_squeeze %dma_start3A_14 : memref<1x1x2x128xi32, #tpu.memory_space<hbm>> -> memref<2x128xi32, #tpu.memory_space<hbm>>
      tpu.enqueue_dma source(%dma_start3A_15 : memref<2x128xi32, #tpu.memory_space<hbm>>) target(%arg8 : memref<2x128xi32, #tpu.memory_space<vmem>>) target_semaphore(%arg13 : memref<!tpu.dma_semaphore, #tpu.memory_space<semaphore_mem>>)
      %dma_start3A_16 = arith.constant 1 : i32
      %dma_start3A_17 = arith.constant 0 : i32
      %dma_start3A_18 = arith.constant 0 : i32
      %dma_start3A_19 = tpu.memref_slice %arg2[%arg1, %dma_start3A_16, %dma_start3A_17, %dma_start3A_18] : memref<16x158x2x128xi32, #tpu.memory_space<hbm>> -> memref<1x1x2x128xi32, #tpu.memory_space<hbm>>
      %dma_start3A_20 = tpu.memref_squeeze %dma_start3A_19 : memref<1x1x2x128xi32, #tpu.memory_space<hbm>> -> memref<2x128xi32, #tpu.memory_space<hbm>>
      %dma_start3A_21 = arith.constant 0 : i32
      %dma_start3A_22 = arith.constant 0 : i32
      %dma_start3A_23 = tpu.memref_slice %arg2[%arg1, %dma_start3A_16, %dma_start3A_21, %dma_start3A_22] : memref<16x158x2x128xi32, #tpu.memory_space<hbm>> -> memref<1x1x2x128xi32, #tpu.memory_space<hbm>>
      %dma_start3A_24 = tpu.memref_squeeze %dma_start3A_23 : memref<1x1x2x128xi32, #tpu.memory_space<hbm>> -> memref<2x128xi32, #tpu.memory_space<hbm>>
      tpu.enqueue_dma source(%dma_start3A_24 : memref<2x128xi32, #tpu.memory_space<hbm>>) target(%arg9 : memref<2x128xi32, #tpu.memory_space<vmem>>) target_semaphore(%arg14 : memref<!tpu.dma_semaphore, #tpu.memory_space<semaphore_mem>>)
      %dma_wait3A = arith.constant 0 : i32
      %dma_wait3A_25 = arith.constant 0 : i32
      %dma_wait3A_26 = arith.constant 0 : i32
      %dma_wait3A_27 = tpu.memref_slice %arg2[%arg1, %dma_wait3A, %dma_wait3A_25, %dma_wait3A_26] : memref<16x158x2x128xi32, #tpu.memory_space<hbm>> -> memref<1x1x2x128xi32, #tpu.memory_space<hbm>>
      %dma_wait3A_28 = tpu.memref_squeeze %dma_wait3A_27 : memref<1x1x2x128xi32, #tpu.memory_space<hbm>> -> memref<2x128xi32, #tpu.memory_space<hbm>>
      %dma_wait3A_29 = arith.constant 0 : i32
      %dma_wait3A_30 = arith.constant 0 : i32
      %dma_wait3A_31 = tpu.memref_slice %arg2[%arg1, %dma_wait3A, %dma_wait3A_29, %dma_wait3A_30] : memref<16x158x2x128xi32, #tpu.memory_space<hbm>> -> memref<1x1x2x128xi32, #tpu.memory_space<hbm>>
      %dma_wait3A_32 = tpu.memref_squeeze %dma_wait3A_31 : memref<1x1x2x128xi32, #tpu.memory_space<hbm>> -> memref<2x128xi32, #tpu.memory_space<hbm>>
      tpu.wait_dma2 semaphore(%arg13 : memref<!tpu.dma_semaphore, #tpu.memory_space<semaphore_mem>>) src(%dma_wait3A_32 : memref<2x128xi32, #tpu.memory_space<hbm>>) dst(%arg8 : memref<2x128xi32, #tpu.memory_space<vmem>>)
      %dma_start3A_33 = arith.constant 0 : i32
      %dma_start3A_34 = arith.constant 0 : i32
      %dma_start3A_35 = tpu.memref_slice %arg8[%dma_start3A_33, %dma_start3A_34] : memref<2x128xi32, #tpu.memory_space<vmem>> -> memref<1x128xi32, #tpu.memory_space<vmem>>
      %dma_start3A_36 = tpu.memref_squeeze %dma_start3A_35 : memref<1x128xi32, #tpu.memory_space<vmem>> -> memref<128xi32, #tpu.memory_space<vmem>>
      %dma_start3A_37 = arith.constant 0 : i32
      %dma_start3A_38 = arith.constant 0 : i32
      %dma_start3A_39 = tpu.memref_slice %arg4[%dma_start3A_37, %dma_start3A_38] : memref<10240x128xf32, #tpu.memory_space<hbm>> -> memref<10240x128xf32, #tpu.memory_space<hbm>>
      tpu.enqueue_indirect_dma source(%dma_start3A_39 : memref<10240x128xf32, #tpu.memory_space<hbm>>) target(%arg10 : memref<128x128xf32, #tpu.memory_space<vmem>>) offsets(%dma_start3A_36 : memref<128xi32, #tpu.memory_space<vmem>>) semaphore(%arg15 : memref<!tpu.dma_semaphore, #tpu.memory_space<semaphore_mem>>)
      %scan3A = arith.constant 0 : i32
      %scan3A_40 = arith.constant 79 : i32
      %scan3A_41 = arith.addi %scan3A, %scan3A_40 : i32
      %scan3A_42 = arith.constant 1 : i32
      scf.for %scan3A_45 = %scan3A to %scan3A_41 step %scan3A_42  : i32 {
        %mul3A_46 = arith.constant 2 : i32
        %mul3A_47 = arith.muli %mul3A_46, %scan3A_45 : i32
        %add3A = arith.constant 0 : i32
        %add3A_48 = arith.addi %mul3A_47, %add3A : i32
        %add3A_49 = arith.constant 1 : i32
        %add3A_50 = arith.addi %add3A_48, %add3A_49 : i32
        %lt3A = arith.constant 158 : i32
        %lt3A_51 = arith.cmpi slt, %add3A_50, %lt3A : i32
        %convert_element_type3A_52 = arith.extui %lt3A_51 : i1 to i32
        %cond3A_53 = arith.constant 0 : i32
        %cond3A_54 = arith.cmpi ne, %convert_element_type3A_52, %cond3A_53 : i32
        scf.if %cond3A_54 {
          %add3A_95 = arith.constant 1 : i32
          %add3A_96 = arith.addi %add3A_48, %add3A_95 : i32
          %dma_wait3A_97 = arith.constant 0 : i32
          %dma_wait3A_98 = arith.constant 0 : i32
          %dma_wait3A_99 = tpu.memref_slice %arg2[%arg1, %add3A_96, %dma_wait3A_97, %dma_wait3A_98] : memref<16x158x2x128xi32, #tpu.memory_space<hbm>> -> memref<1x1x2x128xi32, #tpu.memory_space<hbm>>
          %dma_wait3A_100 = tpu.memref_squeeze %dma_wait3A_99 : memref<1x1x2x128xi32, #tpu.memory_space<hbm>> -> memref<2x128xi32, #tpu.memory_space<hbm>>
          %dma_wait3A_101 = arith.constant 0 : i32
          %dma_wait3A_102 = arith.constant 0 : i32
          %dma_wait3A_103 = tpu.memref_slice %arg2[%arg1, %add3A_96, %dma_wait3A_101, %dma_wait3A_102] : memref<16x158x2x128xi32, #tpu.memory_space<hbm>> -> memref<1x1x2x128xi32, #tpu.memory_space<hbm>>
          %dma_wait3A_104 = tpu.memref_squeeze %dma_wait3A_103 : memref<1x1x2x128xi32, #tpu.memory_space<hbm>> -> memref<2x128xi32, #tpu.memory_space<hbm>>
          tpu.wait_dma2 semaphore(%arg14 : memref<!tpu.dma_semaphore, #tpu.memory_space<semaphore_mem>>) src(%dma_wait3A_104 : memref<2x128xi32, #tpu.memory_space<hbm>>) dst(%arg9 : memref<2x128xi32, #tpu.memory_space<vmem>>)
          %dma_start3A_105 = arith.constant 0 : i32
          %dma_start3A_106 = arith.constant 0 : i32
          %dma_start3A_107 = tpu.memref_slice %arg9[%dma_start3A_105, %dma_start3A_106] : memref<2x128xi32, #tpu.memory_space<vmem>> -> memref<1x128xi32, #tpu.memory_space<vmem>>
          %dma_start3A_108 = tpu.memref_squeeze %dma_start3A_107 : memref<1x128xi32, #tpu.memory_space<vmem>> -> memref<128xi32, #tpu.memory_space<vmem>>
          %dma_start3A_109 = arith.constant 0 : i32
          %dma_start3A_110 = arith.constant 0 : i32
          %dma_start3A_111 = tpu.memref_slice %arg4[%dma_start3A_109, %dma_start3A_110] : memref<10240x128xf32, #tpu.memory_space<hbm>> -> memref<10240x128xf32, #tpu.memory_space<hbm>>
          tpu.enqueue_indirect_dma source(%dma_start3A_111 : memref<10240x128xf32, #tpu.memory_space<hbm>>) target(%arg11 : memref<128x128xf32, #tpu.memory_space<vmem>>) offsets(%dma_start3A_108 : memref<128xi32, #tpu.memory_space<vmem>>) semaphore(%arg16 : memref<!tpu.dma_semaphore, #tpu.memory_space<semaphore_mem>>)
        } else {
        }
        %dma_wait3A_55 = arith.constant 0 : i32
        %dma_wait3A_56 = arith.constant 0 : i32
        %dma_wait3A_57 = tpu.memref_slice %arg8[%dma_wait3A_55, %dma_wait3A_56] : memref<2x128xi32, #tpu.memory_space<vmem>> -> memref<1x128xi32, #tpu.memory_space<vmem>>
        %dma_wait3A_58 = tpu.memref_squeeze %dma_wait3A_57 : memref<1x128xi32, #tpu.memory_space<vmem>> -> memref<128xi32, #tpu.memory_space<vmem>>
        %dma_wait3A_59 = arith.constant 0 : i32
        %dma_wait3A_60 = arith.constant 0 : i32
        %dma_wait3A_61 = tpu.memref_slice %arg4[%dma_wait3A_59, %dma_wait3A_60] : memref<10240x128xf32, #tpu.memory_space<hbm>> -> memref<10240x128xf32, #tpu.memory_space<hbm>>
        tpu.wait_indirect_dma semaphore(%arg15 : memref<!tpu.dma_semaphore, #tpu.memory_space<semaphore_mem>>) src(%dma_wait3A_61 : memref<10240x128xf32, #tpu.memory_space<hbm>>) dst(%arg10 : memref<128x128xf32, #tpu.memory_space<vmem>>)
        %run_scoped3A = arith.constant 1 : i32
        "tpu.region"() ({
          %run_scoped3A_95 = tpu.sem_alloc : memref<!tpu.dma_semaphore, #tpu.memory_space<semaphore_mem>>
          %dma_start3A_96 = arith.constant 0 : i32
          %dma_start3A_97 = tpu.memref_slice %arg8[%run_scoped3A, %dma_start3A_96] : memref<2x128xi32, #tpu.memory_space<vmem>> -> memref<1x128xi32, #tpu.memory_space<vmem>>
          %dma_start3A_98 = tpu.memref_squeeze %dma_start3A_97 : memref<1x128xi32, #tpu.memory_space<vmem>> -> memref<128xi32, #tpu.memory_space<vmem>>
          %dma_start3A_99 = arith.constant 0 : i32
          %dma_start3A_100 = arith.constant 0 : i32
          %dma_start3A_101 = tpu.memref_slice %arg12[%dma_start3A_99, %dma_start3A_100] : memref<10240x128xf32, #tpu.memory_space<vmem_shared>> -> memref<10240x128xf32, #tpu.memory_space<vmem_shared>>
          tpu.enqueue_indirect_dma source(%arg10 : memref<128x128xf32, #tpu.memory_space<vmem>>) target(%dma_start3A_101 : memref<10240x128xf32, #tpu.memory_space<vmem_shared>>) offsets(%dma_start3A_98 : memref<128xi32, #tpu.memory_space<vmem>>) semaphore(%run_scoped3A_95 : memref<!tpu.dma_semaphore, #tpu.memory_space<semaphore_mem>>) {add = true}
          %dma_wait3A_102 = arith.constant 0 : i32
          %dma_wait3A_103 = tpu.memref_slice %arg8[%run_scoped3A, %dma_wait3A_102] : memref<2x128xi32, #tpu.memory_space<vmem>> -> memref<1x128xi32, #tpu.memory_space<vmem>>
          %dma_wait3A_104 = tpu.memref_squeeze %dma_wait3A_103 : memref<1x128xi32, #tpu.memory_space<vmem>> -> memref<128xi32, #tpu.memory_space<vmem>>
          %dma_wait3A_105 = arith.constant 0 : i32
          %dma_wait3A_106 = arith.constant 0 : i32
          %dma_wait3A_107 = tpu.memref_slice %arg12[%dma_wait3A_105, %dma_wait3A_106] : memref<10240x128xf32, #tpu.memory_space<vmem_shared>> -> memref<10240x128xf32, #tpu.memory_space<vmem_shared>>
          tpu.wait_indirect_dma semaphore(%run_scoped3A_95 : memref<!tpu.dma_semaphore, #tpu.memory_space<semaphore_mem>>) src(%arg10 : memref<128x128xf32, #tpu.memory_space<vmem>>) dst(%dma_wait3A_107 : memref<10240x128xf32, #tpu.memory_space<vmem_shared>>)
          tpu.yield
        }) : () -> ()
        %add3A_62 = arith.constant 2 : i32
        %add3A_63 = arith.addi %add3A_48, %add3A_62 : i32
        %lt3A_64 = arith.constant 158 : i32
        %lt3A_65 = arith.cmpi slt, %add3A_63, %lt3A_64 : i32
        %convert_element_type3A_66 = arith.extui %lt3A_65 : i1 to i32
        %cond3A_67 = arith.constant 0 : i32
        %cond3A_68 = arith.cmpi ne, %convert_element_type3A_66, %cond3A_67 : i32
        scf.if %cond3A_68 {
          %add3A_95 = arith.constant 2 : i32
          %add3A_96 = arith.addi %add3A_48, %add3A_95 : i32
          %dma_start3A_97 = arith.constant 0 : i32
          %dma_start3A_98 = arith.constant 0 : i32
          %dma_start3A_99 = tpu.memref_slice %arg2[%arg1, %add3A_96, %dma_start3A_97, %dma_start3A_98] : memref<16x158x2x128xi32, #tpu.memory_space<hbm>> -> memref<1x1x2x128xi32, #tpu.memory_space<hbm>>
          %dma_start3A_100 = tpu.memref_squeeze %dma_start3A_99 : memref<1x1x2x128xi32, #tpu.memory_space<hbm>> -> memref<2x128xi32, #tpu.memory_space<hbm>>
          %dma_start3A_101 = arith.constant 0 : i32
          %dma_start3A_102 = arith.constant 0 : i32
          %dma_start3A_103 = tpu.memref_slice %arg2[%arg1, %add3A_96, %dma_start3A_101, %dma_start3A_102] : memref<16x158x2x128xi32, #tpu.memory_space<hbm>> -> memref<1x1x2x128xi32, #tpu.memory_space<hbm>>
          %dma_start3A_104 = tpu.memref_squeeze %dma_start3A_103 : memref<1x1x2x128xi32, #tpu.memory_space<hbm>> -> memref<2x128xi32, #tpu.memory_space<hbm>>
          tpu.enqueue_dma source(%dma_start3A_104 : memref<2x128xi32, #tpu.memory_space<hbm>>) target(%arg8 : memref<2x128xi32, #tpu.memory_space<vmem>>) target_semaphore(%arg13 : memref<!tpu.dma_semaphore, #tpu.memory_space<semaphore_mem>>)
        } else {
        }
        %mul3A_69 = arith.constant 2 : i32
        %mul3A_70 = arith.muli %mul3A_69, %scan3A_45 : i32
        %add3A_71 = arith.constant 1 : i32
        %add3A_72 = arith.addi %mul3A_70, %add3A_71 : i32
        %add3A_73 = arith.constant 1 : i32
        %add3A_74 = arith.addi %add3A_72, %add3A_73 : i32
        %lt3A_75 = arith.constant 158 : i32
        %lt3A_76 = arith.cmpi slt, %add3A_74, %lt3A_75 : i32
        %convert_element_type3A_77 = arith.extui %lt3A_76 : i1 to i32
        %cond3A_78 = arith.constant 0 : i32
        %cond3A_79 = arith.cmpi ne, %convert_element_type3A_77, %cond3A_78 : i32
        scf.if %cond3A_79 {
          %add3A_95 = arith.constant 1 : i32
          %add3A_96 = arith.addi %add3A_72, %add3A_95 : i32
          %dma_wait3A_97 = arith.constant 0 : i32
          %dma_wait3A_98 = arith.constant 0 : i32
          %dma_wait3A_99 = tpu.memref_slice %arg2[%arg1, %add3A_96, %dma_wait3A_97, %dma_wait3A_98] : memref<16x158x2x128xi32, #tpu.memory_space<hbm>> -> memref<1x1x2x128xi32, #tpu.memory_space<hbm>>
          %dma_wait3A_100 = tpu.memref_squeeze %dma_wait3A_99 : memref<1x1x2x128xi32, #tpu.memory_space<hbm>> -> memref<2x128xi32, #tpu.memory_space<hbm>>
          %dma_wait3A_101 = arith.constant 0 : i32
          %dma_wait3A_102 = arith.constant 0 : i32
          %dma_wait3A_103 = tpu.memref_slice %arg2[%arg1, %add3A_96, %dma_wait3A_101, %dma_wait3A_102] : memref<16x158x2x128xi32, #tpu.memory_space<hbm>> -> memref<1x1x2x128xi32, #tpu.memory_space<hbm>>
          %dma_wait3A_104 = tpu.memref_squeeze %dma_wait3A_103 : memref<1x1x2x128xi32, #tpu.memory_space<hbm>> -> memref<2x128xi32, #tpu.memory_space<hbm>>
          tpu.wait_dma2 semaphore(%arg13 : memref<!tpu.dma_semaphore, #tpu.memory_space<semaphore_mem>>) src(%dma_wait3A_104 : memref<2x128xi32, #tpu.memory_space<hbm>>) dst(%arg8 : memref<2x128xi32, #tpu.memory_space<vmem>>)
          %dma_start3A_105 = arith.constant 0 : i32
          %dma_start3A_106 = arith.constant 0 : i32
          %dma_start3A_107 = tpu.memref_slice %arg8[%dma_start3A_105, %dma_start3A_106] : memref<2x128xi32, #tpu.memory_space<vmem>> -> memref<1x128xi32, #tpu.memory_space<vmem>>
          %dma_start3A_108 = tpu.memref_squeeze %dma_start3A_107 : memref<1x128xi32, #tpu.memory_space<vmem>> -> memref<128xi32, #tpu.memory_space<vmem>>
          %dma_start3A_109 = arith.constant 0 : i32
          %dma_start3A_110 = arith.constant 0 : i32
          %dma_start3A_111 = tpu.memref_slice %arg4[%dma_start3A_109, %dma_start3A_110] : memref<10240x128xf32, #tpu.memory_space<hbm>> -> memref<10240x128xf32, #tpu.memory_space<hbm>>
          tpu.enqueue_indirect_dma source(%dma_start3A_111 : memref<10240x128xf32, #tpu.memory_space<hbm>>) target(%arg10 : memref<128x128xf32, #tpu.memory_space<vmem>>) offsets(%dma_start3A_108 : memref<128xi32, #tpu.memory_space<vmem>>) semaphore(%arg15 : memref<!tpu.dma_semaphore, #tpu.memory_space<semaphore_mem>>)
        } else {
        }
        %dma_wait3A_80 = arith.constant 0 : i32
        %dma_wait3A_81 = arith.constant 0 : i32
        %dma_wait3A_82 = tpu.memref_slice %arg9[%dma_wait3A_80, %dma_wait3A_81] : memref<2x128xi32, #tpu.memory_space<vmem>> -> memref<1x128xi32, #tpu.memory_space<vmem>>
        %dma_wait3A_83 = tpu.memref_squeeze %dma_wait3A_82 : memref<1x128xi32, #tpu.memory_space<vmem>> -> memref<128xi32, #tpu.memory_space<vmem>>
        %dma_wait3A_84 = arith.constant 0 : i32
        %dma_wait3A_85 = arith.constant 0 : i32
        %dma_wait3A_86 = tpu.memref_slice %arg4[%dma_wait3A_84, %dma_wait3A_85] : memref<10240x128xf32, #tpu.memory_space<hbm>> -> memref<10240x128xf32, #tpu.memory_space<hbm>>
        tpu.wait_indirect_dma semaphore(%arg16 : memref<!tpu.dma_semaphore, #tpu.memory_space<semaphore_mem>>) src(%dma_wait3A_86 : memref<10240x128xf32, #tpu.memory_space<hbm>>) dst(%arg11 : memref<128x128xf32, #tpu.memory_space<vmem>>)
        %run_scoped3A_87 = arith.constant 1 : i32
        "tpu.region"() ({
          %run_scoped3A_95 = tpu.sem_alloc : memref<!tpu.dma_semaphore, #tpu.memory_space<semaphore_mem>>
          %dma_start3A_96 = arith.constant 0 : i32
          %dma_start3A_97 = tpu.memref_slice %arg9[%run_scoped3A_87, %dma_start3A_96] : memref<2x128xi32, #tpu.memory_space<vmem>> -> memref<1x128xi32, #tpu.memory_space<vmem>>
          %dma_start3A_98 = tpu.memref_squeeze %dma_start3A_97 : memref<1x128xi32, #tpu.memory_space<vmem>> -> memref<128xi32, #tpu.memory_space<vmem>>
          %dma_start3A_99 = arith.constant 0 : i32
          %dma_start3A_100 = arith.constant 0 : i32
          %dma_start3A_101 = tpu.memref_slice %arg12[%dma_start3A_99, %dma_start3A_100] : memref<10240x128xf32, #tpu.memory_space<vmem_shared>> -> memref<10240x128xf32, #tpu.memory_space<vmem_shared>>
          tpu.enqueue_indirect_dma source(%arg11 : memref<128x128xf32, #tpu.memory_space<vmem>>) target(%dma_start3A_101 : memref<10240x128xf32, #tpu.memory_space<vmem_shared>>) offsets(%dma_start3A_98 : memref<128xi32, #tpu.memory_space<vmem>>) semaphore(%run_scoped3A_95 : memref<!tpu.dma_semaphore, #tpu.memory_space<semaphore_mem>>) {add = true}
          %dma_wait3A_102 = arith.constant 0 : i32
          %dma_wait3A_103 = tpu.memref_slice %arg9[%run_scoped3A_87, %dma_wait3A_102] : memref<2x128xi32, #tpu.memory_space<vmem>> -> memref<1x128xi32, #tpu.memory_space<vmem>>
          %dma_wait3A_104 = tpu.memref_squeeze %dma_wait3A_103 : memref<1x128xi32, #tpu.memory_space<vmem>> -> memref<128xi32, #tpu.memory_space<vmem>>
          %dma_wait3A_105 = arith.constant 0 : i32
          %dma_wait3A_106 = arith.constant 0 : i32
          %dma_wait3A_107 = tpu.memref_slice %arg12[%dma_wait3A_105, %dma_wait3A_106] : memref<10240x128xf32, #tpu.memory_space<vmem_shared>> -> memref<10240x128xf32, #tpu.memory_space<vmem_shared>>
          tpu.wait_indirect_dma semaphore(%run_scoped3A_95 : memref<!tpu.dma_semaphore, #tpu.memory_space<semaphore_mem>>) src(%arg11 : memref<128x128xf32, #tpu.memory_space<vmem>>) dst(%dma_wait3A_107 : memref<10240x128xf32, #tpu.memory_space<vmem_shared>>)
          tpu.yield
        }) : () -> ()
        %add3A_88 = arith.constant 2 : i32
        %add3A_89 = arith.addi %add3A_72, %add3A_88 : i32
        %lt3A_90 = arith.constant 158 : i32
        %lt3A_91 = arith.cmpi slt, %add3A_89, %lt3A_90 : i32
        %convert_element_type3A_92 = arith.extui %lt3A_91 : i1 to i32
        %cond3A_93 = arith.constant 0 : i32
        %cond3A_94 = arith.cmpi ne, %convert_element_type3A_92, %cond3A_93 : i32
        scf.if %cond3A_94 {
          %add3A_95 = arith.constant 2 : i32
          %add3A_96 = arith.addi %add3A_72, %add3A_95 : i32
          %dma_start3A_97 = arith.constant 0 : i32
          %dma_start3A_98 = arith.constant 0 : i32
          %dma_start3A_99 = tpu.memref_slice %arg2[%arg1, %add3A_96, %dma_start3A_97, %dma_start3A_98] : memref<16x158x2x128xi32, #tpu.memory_space<hbm>> -> memref<1x1x2x128xi32, #tpu.memory_space<hbm>>
          %dma_start3A_100 = tpu.memref_squeeze %dma_start3A_99 : memref<1x1x2x128xi32, #tpu.memory_space<hbm>> -> memref<2x128xi32, #tpu.memory_space<hbm>>
          %dma_start3A_101 = arith.constant 0 : i32
          %dma_start3A_102 = arith.constant 0 : i32
          %dma_start3A_103 = tpu.memref_slice %arg2[%arg1, %add3A_96, %dma_start3A_101, %dma_start3A_102] : memref<16x158x2x128xi32, #tpu.memory_space<hbm>> -> memref<1x1x2x128xi32, #tpu.memory_space<hbm>>
          %dma_start3A_104 = tpu.memref_squeeze %dma_start3A_103 : memref<1x1x2x128xi32, #tpu.memory_space<hbm>> -> memref<2x128xi32, #tpu.memory_space<hbm>>
          tpu.enqueue_dma source(%dma_start3A_104 : memref<2x128xi32, #tpu.memory_space<hbm>>) target(%arg9 : memref<2x128xi32, #tpu.memory_space<vmem>>) target_semaphore(%arg14 : memref<!tpu.dma_semaphore, #tpu.memory_space<semaphore_mem>>)
        } else {
        }
      }
      %scan3A_43 = arith.constant 79 : i32
      %barrier3A_44 = arith.constant 0 : index
      tpu.barrier barrier_id(%barrier3A_44)
      "tpu.region"() ({
        %run_scoped3A = tpu.sem_alloc : memref<!tpu.dma_semaphore, #tpu.memory_space<semaphore_mem>>
        %dma_start3A_45 = arith.constant 0 : i32
        %dma_start3A_46 = tpu.memref_slice %arg7[%mul3A_0, %dma_start3A_45] : memref<10240x128xf32, #tpu.memory_space<hbm>> -> memref<640x128xf32, #tpu.memory_space<hbm>>
        %dma_start3A_47 = arith.constant 0 : i32
        %dma_start3A_48 = tpu.memref_slice %arg12[%mul3A_0, %dma_start3A_47] : memref<10240x128xf32, #tpu.memory_space<vmem_shared>> -> memref<640x128xf32, #tpu.memory_space<vmem_shared>>
        tpu.enqueue_dma source(%dma_start3A_48 : memref<640x128xf32, #tpu.memory_space<vmem_shared>>) target(%dma_start3A_46 : memref<640x128xf32, #tpu.memory_space<hbm>>) target_semaphore(%run_scoped3A : memref<!tpu.dma_semaphore, #tpu.memory_space<semaphore_mem>>)
        %dma_wait3A_49 = arith.constant 0 : i32
        %dma_wait3A_50 = tpu.memref_slice %arg7[%mul3A_0, %dma_wait3A_49] : memref<10240x128xf32, #tpu.memory_space<hbm>> -> memref<640x128xf32, #tpu.memory_space<hbm>>
        %dma_wait3A_51 = arith.constant 0 : i32
        %dma_wait3A_52 = tpu.memref_slice %arg12[%mul3A_0, %dma_wait3A_51] : memref<10240x128xf32, #tpu.memory_space<vmem_shared>> -> memref<640x128xf32, #tpu.memory_space<vmem_shared>>
        tpu.wait_dma2 semaphore(%run_scoped3A : memref<!tpu.dma_semaphore, #tpu.memory_space<semaphore_mem>>) src(%dma_wait3A_52 : memref<640x128xf32, #tpu.memory_space<vmem_shared>>) dst(%dma_wait3A_50 : memref<640x128xf32, #tpu.memory_space<hbm>>)
        tpu.yield
      }) : () -> ()
    } else {
    }
    return
  }
}

#map = affine_map<(d0, d1) -> (0, 0, 0, 0)>
#map1 = affine_map<(d0, d1) -> (0, 0)>
module attributes {stable_mosaic.version = 14 : i64} {
  func.func @sc_agg2(%arg0: i32, %arg1: i32, %arg2: memref<32x80x2x128xi32, #tpu.memory_space<hbm>>, %arg3: memref<10240x128xf32, #tpu.memory_space<hbm>>, %arg4: memref<10240x128xf32, #tpu.memory_space<hbm>>, %arg5: memref<10240x128xf32, #tpu.memory_space<hbm>>, %arg6: memref<10240x128xf32, #tpu.memory_space<hbm>>, %arg7: memref<2x128xi32, #tpu.memory_space<vmem>>, %arg8: memref<2x128xi32, #tpu.memory_space<vmem>>, %arg9: memref<128x128xf32, #tpu.memory_space<vmem>>, %arg10: memref<128x128xf32, #tpu.memory_space<vmem>>, %arg11: memref<10240x128xf32, #tpu.memory_space<vmem_shared>>, %arg12: memref<!tpu.dma_semaphore, #tpu.memory_space<semaphore_mem>>, %arg13: memref<!tpu.dma_semaphore, #tpu.memory_space<semaphore_mem>>, %arg14: memref<!tpu.dma_semaphore, #tpu.memory_space<semaphore_mem>>, %arg15: memref<!tpu.dma_semaphore, #tpu.memory_space<semaphore_mem>>) attributes {dimension_semantics = [#tpu.dimension_semantics<core_parallel>, #tpu.dimension_semantics<subcore_parallel>], iteration_bounds = array<i64: 2, 16>, scalar_prefetch = 0 : i64, scratch_operands = 9 : i64, tpu.core_type = #tpu.core_type<sc_vector_subcore>, window_params = [{transform_indices = #map}, {transform_indices = #map1}, {transform_indices = #map1}, {transform_indices = #map1}, {transform_indices = #map1}]} {
    %mul3A = arith.constant 2 : i32
    %mul3A_0 = arith.muli %arg1, %mul3A : i32
    %add3A = arith.addi %mul3A_0, %arg0 : i32
    %mul3A_1 = arith.constant 640 : i32
    %mul3A_2 = arith.muli %arg1, %mul3A_1 : i32
    "tpu.region"() ({
      %run_scoped3A = tpu.sem_alloc : memref<!tpu.dma_semaphore, #tpu.memory_space<semaphore_mem>>
      %dma_start3A_47 = arith.constant 0 : i32
      %dma_start3A_48 = tpu.memref_slice %arg11[%mul3A_2, %dma_start3A_47] : memref<10240x128xf32, #tpu.memory_space<vmem_shared>> -> memref<640x128xf32, #tpu.memory_space<vmem_shared>>
      %dma_start3A_49 = arith.constant 0 : i32
      %dma_start3A_50 = arith.constant 0 : i32
      %dma_start3A_51 = tpu.memref_slice %arg4[%dma_start3A_49, %dma_start3A_50] : memref<10240x128xf32, #tpu.memory_space<hbm>> -> memref<640x128xf32, #tpu.memory_space<hbm>>
      tpu.enqueue_dma source(%dma_start3A_51 : memref<640x128xf32, #tpu.memory_space<hbm>>) target(%dma_start3A_48 : memref<640x128xf32, #tpu.memory_space<vmem_shared>>) target_semaphore(%run_scoped3A : memref<!tpu.dma_semaphore, #tpu.memory_space<semaphore_mem>>)
      %dma_wait3A_52 = arith.constant 0 : i32
      %dma_wait3A_53 = tpu.memref_slice %arg11[%mul3A_2, %dma_wait3A_52] : memref<10240x128xf32, #tpu.memory_space<vmem_shared>> -> memref<640x128xf32, #tpu.memory_space<vmem_shared>>
      %dma_wait3A_54 = arith.constant 0 : i32
      %dma_wait3A_55 = arith.constant 0 : i32
      %dma_wait3A_56 = tpu.memref_slice %arg4[%dma_wait3A_54, %dma_wait3A_55] : memref<10240x128xf32, #tpu.memory_space<hbm>> -> memref<640x128xf32, #tpu.memory_space<hbm>>
      tpu.wait_dma2 semaphore(%run_scoped3A : memref<!tpu.dma_semaphore, #tpu.memory_space<semaphore_mem>>) src(%dma_wait3A_56 : memref<640x128xf32, #tpu.memory_space<hbm>>) dst(%dma_wait3A_53 : memref<640x128xf32, #tpu.memory_space<vmem_shared>>)
      tpu.yield
    }) : () -> ()
    %barrier3A = arith.constant 0 : index
    tpu.barrier barrier_id(%barrier3A)
    %dma_start3A = arith.constant 0 : i32
    %dma_start3A_3 = arith.constant 0 : i32
    %dma_start3A_4 = arith.constant 0 : i32
    %dma_start3A_5 = tpu.memref_slice %arg2[%add3A, %dma_start3A, %dma_start3A_3, %dma_start3A_4] : memref<32x80x2x128xi32, #tpu.memory_space<hbm>> -> memref<1x1x2x128xi32, #tpu.memory_space<hbm>>
    %dma_start3A_6 = tpu.memref_squeeze %dma_start3A_5 : memref<1x1x2x128xi32, #tpu.memory_space<hbm>> -> memref<2x128xi32, #tpu.memory_space<hbm>>
    %dma_start3A_7 = arith.constant 0 : i32
    %dma_start3A_8 = arith.constant 0 : i32
    %dma_start3A_9 = tpu.memref_slice %arg2[%add3A, %dma_start3A, %dma_start3A_7, %dma_start3A_8] : memref<32x80x2x128xi32, #tpu.memory_space<hbm>> -> memref<1x1x2x128xi32, #tpu.memory_space<hbm>>
    %dma_start3A_10 = tpu.memref_squeeze %dma_start3A_9 : memref<1x1x2x128xi32, #tpu.memory_space<hbm>> -> memref<2x128xi32, #tpu.memory_space<hbm>>
    tpu.enqueue_dma source(%dma_start3A_10 : memref<2x128xi32, #tpu.memory_space<hbm>>) target(%arg7 : memref<2x128xi32, #tpu.memory_space<vmem>>) target_semaphore(%arg12 : memref<!tpu.dma_semaphore, #tpu.memory_space<semaphore_mem>>)
    %dma_start3A_11 = arith.constant 1 : i32
    %dma_start3A_12 = arith.constant 0 : i32
    %dma_start3A_13 = arith.constant 0 : i32
    %dma_start3A_14 = tpu.memref_slice %arg2[%add3A, %dma_start3A_11, %dma_start3A_12, %dma_start3A_13] : memref<32x80x2x128xi32, #tpu.memory_space<hbm>> -> memref<1x1x2x128xi32, #tpu.memory_space<hbm>>
    %dma_start3A_15 = tpu.memref_squeeze %dma_start3A_14 : memref<1x1x2x128xi32, #tpu.memory_space<hbm>> -> memref<2x128xi32, #tpu.memory_space<hbm>>
    %dma_start3A_16 = arith.constant 0 : i32
    %dma_start3A_17 = arith.constant 0 : i32
    %dma_start3A_18 = tpu.memref_slice %arg2[%add3A, %dma_start3A_11, %dma_start3A_16, %dma_start3A_17] : memref<32x80x2x128xi32, #tpu.memory_space<hbm>> -> memref<1x1x2x128xi32, #tpu.memory_space<hbm>>
    %dma_start3A_19 = tpu.memref_squeeze %dma_start3A_18 : memref<1x1x2x128xi32, #tpu.memory_space<hbm>> -> memref<2x128xi32, #tpu.memory_space<hbm>>
    tpu.enqueue_dma source(%dma_start3A_19 : memref<2x128xi32, #tpu.memory_space<hbm>>) target(%arg8 : memref<2x128xi32, #tpu.memory_space<vmem>>) target_semaphore(%arg13 : memref<!tpu.dma_semaphore, #tpu.memory_space<semaphore_mem>>)
    %dma_wait3A = arith.constant 0 : i32
    %dma_wait3A_20 = arith.constant 0 : i32
    %dma_wait3A_21 = arith.constant 0 : i32
    %dma_wait3A_22 = tpu.memref_slice %arg2[%add3A, %dma_wait3A, %dma_wait3A_20, %dma_wait3A_21] : memref<32x80x2x128xi32, #tpu.memory_space<hbm>> -> memref<1x1x2x128xi32, #tpu.memory_space<hbm>>
    %dma_wait3A_23 = tpu.memref_squeeze %dma_wait3A_22 : memref<1x1x2x128xi32, #tpu.memory_space<hbm>> -> memref<2x128xi32, #tpu.memory_space<hbm>>
    %dma_wait3A_24 = arith.constant 0 : i32
    %dma_wait3A_25 = arith.constant 0 : i32
    %dma_wait3A_26 = tpu.memref_slice %arg2[%add3A, %dma_wait3A, %dma_wait3A_24, %dma_wait3A_25] : memref<32x80x2x128xi32, #tpu.memory_space<hbm>> -> memref<1x1x2x128xi32, #tpu.memory_space<hbm>>
    %dma_wait3A_27 = tpu.memref_squeeze %dma_wait3A_26 : memref<1x1x2x128xi32, #tpu.memory_space<hbm>> -> memref<2x128xi32, #tpu.memory_space<hbm>>
    tpu.wait_dma2 semaphore(%arg12 : memref<!tpu.dma_semaphore, #tpu.memory_space<semaphore_mem>>) src(%dma_wait3A_27 : memref<2x128xi32, #tpu.memory_space<hbm>>) dst(%arg7 : memref<2x128xi32, #tpu.memory_space<vmem>>)
    %dma_start3A_28 = arith.constant 0 : i32
    %dma_start3A_29 = arith.constant 0 : i32
    %dma_start3A_30 = tpu.memref_slice %arg7[%dma_start3A_28, %dma_start3A_29] : memref<2x128xi32, #tpu.memory_space<vmem>> -> memref<1x128xi32, #tpu.memory_space<vmem>>
    %dma_start3A_31 = tpu.memref_squeeze %dma_start3A_30 : memref<1x128xi32, #tpu.memory_space<vmem>> -> memref<128xi32, #tpu.memory_space<vmem>>
    %dma_start3A_32 = arith.constant 0 : i32
    %dma_start3A_33 = arith.constant 0 : i32
    %dma_start3A_34 = tpu.memref_slice %arg3[%dma_start3A_32, %dma_start3A_33] : memref<10240x128xf32, #tpu.memory_space<hbm>> -> memref<10240x128xf32, #tpu.memory_space<hbm>>
    tpu.enqueue_indirect_dma source(%dma_start3A_34 : memref<10240x128xf32, #tpu.memory_space<hbm>>) target(%arg9 : memref<128x128xf32, #tpu.memory_space<vmem>>) offsets(%dma_start3A_31 : memref<128xi32, #tpu.memory_space<vmem>>) semaphore(%arg14 : memref<!tpu.dma_semaphore, #tpu.memory_space<semaphore_mem>>)
    %scan3A = arith.constant 0 : i32
    %scan3A_35 = arith.constant 40 : i32
    %scan3A_36 = arith.addi %scan3A, %scan3A_35 : i32
    %scan3A_37 = arith.constant 1 : i32
    scf.for %scan3A_47 = %scan3A to %scan3A_36 step %scan3A_37  : i32 {
      %mul3A_48 = arith.constant 2 : i32
      %mul3A_49 = arith.muli %mul3A_48, %scan3A_47 : i32
      %add3A_50 = arith.constant 0 : i32
      %add3A_51 = arith.addi %mul3A_49, %add3A_50 : i32
      %add3A_52 = arith.constant 1 : i32
      %add3A_53 = arith.addi %add3A_51, %add3A_52 : i32
      %lt3A = arith.constant 80 : i32
      %lt3A_54 = arith.cmpi slt, %add3A_53, %lt3A : i32
      %convert_element_type3A_55 = arith.extui %lt3A_54 : i1 to i32
      %cond3A_56 = arith.constant 0 : i32
      %cond3A_57 = arith.cmpi ne, %convert_element_type3A_55, %cond3A_56 : i32
      scf.if %cond3A_57 {
        %add3A_98 = arith.constant 1 : i32
        %add3A_99 = arith.addi %add3A_51, %add3A_98 : i32
        %dma_wait3A_100 = arith.constant 0 : i32
        %dma_wait3A_101 = arith.constant 0 : i32
        %dma_wait3A_102 = tpu.memref_slice %arg2[%add3A, %add3A_99, %dma_wait3A_100, %dma_wait3A_101] : memref<32x80x2x128xi32, #tpu.memory_space<hbm>> -> memref<1x1x2x128xi32, #tpu.memory_space<hbm>>
        %dma_wait3A_103 = tpu.memref_squeeze %dma_wait3A_102 : memref<1x1x2x128xi32, #tpu.memory_space<hbm>> -> memref<2x128xi32, #tpu.memory_space<hbm>>
        %dma_wait3A_104 = arith.constant 0 : i32
        %dma_wait3A_105 = arith.constant 0 : i32
        %dma_wait3A_106 = tpu.memref_slice %arg2[%add3A, %add3A_99, %dma_wait3A_104, %dma_wait3A_105] : memref<32x80x2x128xi32, #tpu.memory_space<hbm>> -> memref<1x1x2x128xi32, #tpu.memory_space<hbm>>
        %dma_wait3A_107 = tpu.memref_squeeze %dma_wait3A_106 : memref<1x1x2x128xi32, #tpu.memory_space<hbm>> -> memref<2x128xi32, #tpu.memory_space<hbm>>
        tpu.wait_dma2 semaphore(%arg13 : memref<!tpu.dma_semaphore, #tpu.memory_space<semaphore_mem>>) src(%dma_wait3A_107 : memref<2x128xi32, #tpu.memory_space<hbm>>) dst(%arg8 : memref<2x128xi32, #tpu.memory_space<vmem>>)
        %dma_start3A_108 = arith.constant 0 : i32
        %dma_start3A_109 = arith.constant 0 : i32
        %dma_start3A_110 = tpu.memref_slice %arg8[%dma_start3A_108, %dma_start3A_109] : memref<2x128xi32, #tpu.memory_space<vmem>> -> memref<1x128xi32, #tpu.memory_space<vmem>>
        %dma_start3A_111 = tpu.memref_squeeze %dma_start3A_110 : memref<1x128xi32, #tpu.memory_space<vmem>> -> memref<128xi32, #tpu.memory_space<vmem>>
        %dma_start3A_112 = arith.constant 0 : i32
        %dma_start3A_113 = arith.constant 0 : i32
        %dma_start3A_114 = tpu.memref_slice %arg3[%dma_start3A_112, %dma_start3A_113] : memref<10240x128xf32, #tpu.memory_space<hbm>> -> memref<10240x128xf32, #tpu.memory_space<hbm>>
        tpu.enqueue_indirect_dma source(%dma_start3A_114 : memref<10240x128xf32, #tpu.memory_space<hbm>>) target(%arg10 : memref<128x128xf32, #tpu.memory_space<vmem>>) offsets(%dma_start3A_111 : memref<128xi32, #tpu.memory_space<vmem>>) semaphore(%arg15 : memref<!tpu.dma_semaphore, #tpu.memory_space<semaphore_mem>>)
      } else {
      }
      %dma_wait3A_58 = arith.constant 0 : i32
      %dma_wait3A_59 = arith.constant 0 : i32
      %dma_wait3A_60 = tpu.memref_slice %arg7[%dma_wait3A_58, %dma_wait3A_59] : memref<2x128xi32, #tpu.memory_space<vmem>> -> memref<1x128xi32, #tpu.memory_space<vmem>>
      %dma_wait3A_61 = tpu.memref_squeeze %dma_wait3A_60 : memref<1x128xi32, #tpu.memory_space<vmem>> -> memref<128xi32, #tpu.memory_space<vmem>>
      %dma_wait3A_62 = arith.constant 0 : i32
      %dma_wait3A_63 = arith.constant 0 : i32
      %dma_wait3A_64 = tpu.memref_slice %arg3[%dma_wait3A_62, %dma_wait3A_63] : memref<10240x128xf32, #tpu.memory_space<hbm>> -> memref<10240x128xf32, #tpu.memory_space<hbm>>
      tpu.wait_indirect_dma semaphore(%arg14 : memref<!tpu.dma_semaphore, #tpu.memory_space<semaphore_mem>>) src(%dma_wait3A_64 : memref<10240x128xf32, #tpu.memory_space<hbm>>) dst(%arg9 : memref<128x128xf32, #tpu.memory_space<vmem>>)
      %run_scoped3A = arith.constant 1 : i32
      "tpu.region"() ({
        %run_scoped3A_98 = tpu.sem_alloc : memref<!tpu.dma_semaphore, #tpu.memory_space<semaphore_mem>>
        %dma_start3A_99 = arith.constant 0 : i32
        %dma_start3A_100 = tpu.memref_slice %arg7[%run_scoped3A, %dma_start3A_99] : memref<2x128xi32, #tpu.memory_space<vmem>> -> memref<1x128xi32, #tpu.memory_space<vmem>>
        %dma_start3A_101 = tpu.memref_squeeze %dma_start3A_100 : memref<1x128xi32, #tpu.memory_space<vmem>> -> memref<128xi32, #tpu.memory_space<vmem>>
        %dma_start3A_102 = arith.constant 0 : i32
        %dma_start3A_103 = arith.constant 0 : i32
        %dma_start3A_104 = tpu.memref_slice %arg11[%dma_start3A_102, %dma_start3A_103] : memref<10240x128xf32, #tpu.memory_space<vmem_shared>> -> memref<10240x128xf32, #tpu.memory_space<vmem_shared>>
        tpu.enqueue_indirect_dma source(%arg9 : memref<128x128xf32, #tpu.memory_space<vmem>>) target(%dma_start3A_104 : memref<10240x128xf32, #tpu.memory_space<vmem_shared>>) offsets(%dma_start3A_101 : memref<128xi32, #tpu.memory_space<vmem>>) semaphore(%run_scoped3A_98 : memref<!tpu.dma_semaphore, #tpu.memory_space<semaphore_mem>>) {add = true}
        %dma_wait3A_105 = arith.constant 0 : i32
        %dma_wait3A_106 = tpu.memref_slice %arg7[%run_scoped3A, %dma_wait3A_105] : memref<2x128xi32, #tpu.memory_space<vmem>> -> memref<1x128xi32, #tpu.memory_space<vmem>>
        %dma_wait3A_107 = tpu.memref_squeeze %dma_wait3A_106 : memref<1x128xi32, #tpu.memory_space<vmem>> -> memref<128xi32, #tpu.memory_space<vmem>>
        %dma_wait3A_108 = arith.constant 0 : i32
        %dma_wait3A_109 = arith.constant 0 : i32
        %dma_wait3A_110 = tpu.memref_slice %arg11[%dma_wait3A_108, %dma_wait3A_109] : memref<10240x128xf32, #tpu.memory_space<vmem_shared>> -> memref<10240x128xf32, #tpu.memory_space<vmem_shared>>
        tpu.wait_indirect_dma semaphore(%run_scoped3A_98 : memref<!tpu.dma_semaphore, #tpu.memory_space<semaphore_mem>>) src(%arg9 : memref<128x128xf32, #tpu.memory_space<vmem>>) dst(%dma_wait3A_110 : memref<10240x128xf32, #tpu.memory_space<vmem_shared>>)
        tpu.yield
      }) : () -> ()
      %add3A_65 = arith.constant 2 : i32
      %add3A_66 = arith.addi %add3A_51, %add3A_65 : i32
      %lt3A_67 = arith.constant 80 : i32
      %lt3A_68 = arith.cmpi slt, %add3A_66, %lt3A_67 : i32
      %convert_element_type3A_69 = arith.extui %lt3A_68 : i1 to i32
      %cond3A_70 = arith.constant 0 : i32
      %cond3A_71 = arith.cmpi ne, %convert_element_type3A_69, %cond3A_70 : i32
      scf.if %cond3A_71 {
        %add3A_98 = arith.constant 2 : i32
        %add3A_99 = arith.addi %add3A_51, %add3A_98 : i32
        %dma_start3A_100 = arith.constant 0 : i32
        %dma_start3A_101 = arith.constant 0 : i32
        %dma_start3A_102 = tpu.memref_slice %arg2[%add3A, %add3A_99, %dma_start3A_100, %dma_start3A_101] : memref<32x80x2x128xi32, #tpu.memory_space<hbm>> -> memref<1x1x2x128xi32, #tpu.memory_space<hbm>>
        %dma_start3A_103 = tpu.memref_squeeze %dma_start3A_102 : memref<1x1x2x128xi32, #tpu.memory_space<hbm>> -> memref<2x128xi32, #tpu.memory_space<hbm>>
        %dma_start3A_104 = arith.constant 0 : i32
        %dma_start3A_105 = arith.constant 0 : i32
        %dma_start3A_106 = tpu.memref_slice %arg2[%add3A, %add3A_99, %dma_start3A_104, %dma_start3A_105] : memref<32x80x2x128xi32, #tpu.memory_space<hbm>> -> memref<1x1x2x128xi32, #tpu.memory_space<hbm>>
        %dma_start3A_107 = tpu.memref_squeeze %dma_start3A_106 : memref<1x1x2x128xi32, #tpu.memory_space<hbm>> -> memref<2x128xi32, #tpu.memory_space<hbm>>
        tpu.enqueue_dma source(%dma_start3A_107 : memref<2x128xi32, #tpu.memory_space<hbm>>) target(%arg7 : memref<2x128xi32, #tpu.memory_space<vmem>>) target_semaphore(%arg12 : memref<!tpu.dma_semaphore, #tpu.memory_space<semaphore_mem>>)
      } else {
      }
      %mul3A_72 = arith.constant 2 : i32
      %mul3A_73 = arith.muli %mul3A_72, %scan3A_47 : i32
      %add3A_74 = arith.constant 1 : i32
      %add3A_75 = arith.addi %mul3A_73, %add3A_74 : i32
      %add3A_76 = arith.constant 1 : i32
      %add3A_77 = arith.addi %add3A_75, %add3A_76 : i32
      %lt3A_78 = arith.constant 80 : i32
      %lt3A_79 = arith.cmpi slt, %add3A_77, %lt3A_78 : i32
      %convert_element_type3A_80 = arith.extui %lt3A_79 : i1 to i32
      %cond3A_81 = arith.constant 0 : i32
      %cond3A_82 = arith.cmpi ne, %convert_element_type3A_80, %cond3A_81 : i32
      scf.if %cond3A_82 {
        %add3A_98 = arith.constant 1 : i32
        %add3A_99 = arith.addi %add3A_75, %add3A_98 : i32
        %dma_wait3A_100 = arith.constant 0 : i32
        %dma_wait3A_101 = arith.constant 0 : i32
        %dma_wait3A_102 = tpu.memref_slice %arg2[%add3A, %add3A_99, %dma_wait3A_100, %dma_wait3A_101] : memref<32x80x2x128xi32, #tpu.memory_space<hbm>> -> memref<1x1x2x128xi32, #tpu.memory_space<hbm>>
        %dma_wait3A_103 = tpu.memref_squeeze %dma_wait3A_102 : memref<1x1x2x128xi32, #tpu.memory_space<hbm>> -> memref<2x128xi32, #tpu.memory_space<hbm>>
        %dma_wait3A_104 = arith.constant 0 : i32
        %dma_wait3A_105 = arith.constant 0 : i32
        %dma_wait3A_106 = tpu.memref_slice %arg2[%add3A, %add3A_99, %dma_wait3A_104, %dma_wait3A_105] : memref<32x80x2x128xi32, #tpu.memory_space<hbm>> -> memref<1x1x2x128xi32, #tpu.memory_space<hbm>>
        %dma_wait3A_107 = tpu.memref_squeeze %dma_wait3A_106 : memref<1x1x2x128xi32, #tpu.memory_space<hbm>> -> memref<2x128xi32, #tpu.memory_space<hbm>>
        tpu.wait_dma2 semaphore(%arg12 : memref<!tpu.dma_semaphore, #tpu.memory_space<semaphore_mem>>) src(%dma_wait3A_107 : memref<2x128xi32, #tpu.memory_space<hbm>>) dst(%arg7 : memref<2x128xi32, #tpu.memory_space<vmem>>)
        %dma_start3A_108 = arith.constant 0 : i32
        %dma_start3A_109 = arith.constant 0 : i32
        %dma_start3A_110 = tpu.memref_slice %arg7[%dma_start3A_108, %dma_start3A_109] : memref<2x128xi32, #tpu.memory_space<vmem>> -> memref<1x128xi32, #tpu.memory_space<vmem>>
        %dma_start3A_111 = tpu.memref_squeeze %dma_start3A_110 : memref<1x128xi32, #tpu.memory_space<vmem>> -> memref<128xi32, #tpu.memory_space<vmem>>
        %dma_start3A_112 = arith.constant 0 : i32
        %dma_start3A_113 = arith.constant 0 : i32
        %dma_start3A_114 = tpu.memref_slice %arg3[%dma_start3A_112, %dma_start3A_113] : memref<10240x128xf32, #tpu.memory_space<hbm>> -> memref<10240x128xf32, #tpu.memory_space<hbm>>
        tpu.enqueue_indirect_dma source(%dma_start3A_114 : memref<10240x128xf32, #tpu.memory_space<hbm>>) target(%arg9 : memref<128x128xf32, #tpu.memory_space<vmem>>) offsets(%dma_start3A_111 : memref<128xi32, #tpu.memory_space<vmem>>) semaphore(%arg14 : memref<!tpu.dma_semaphore, #tpu.memory_space<semaphore_mem>>)
      } else {
      }
      %dma_wait3A_83 = arith.constant 0 : i32
      %dma_wait3A_84 = arith.constant 0 : i32
      %dma_wait3A_85 = tpu.memref_slice %arg8[%dma_wait3A_83, %dma_wait3A_84] : memref<2x128xi32, #tpu.memory_space<vmem>> -> memref<1x128xi32, #tpu.memory_space<vmem>>
      %dma_wait3A_86 = tpu.memref_squeeze %dma_wait3A_85 : memref<1x128xi32, #tpu.memory_space<vmem>> -> memref<128xi32, #tpu.memory_space<vmem>>
      %dma_wait3A_87 = arith.constant 0 : i32
      %dma_wait3A_88 = arith.constant 0 : i32
      %dma_wait3A_89 = tpu.memref_slice %arg3[%dma_wait3A_87, %dma_wait3A_88] : memref<10240x128xf32, #tpu.memory_space<hbm>> -> memref<10240x128xf32, #tpu.memory_space<hbm>>
      tpu.wait_indirect_dma semaphore(%arg15 : memref<!tpu.dma_semaphore, #tpu.memory_space<semaphore_mem>>) src(%dma_wait3A_89 : memref<10240x128xf32, #tpu.memory_space<hbm>>) dst(%arg10 : memref<128x128xf32, #tpu.memory_space<vmem>>)
      %run_scoped3A_90 = arith.constant 1 : i32
      "tpu.region"() ({
        %run_scoped3A_98 = tpu.sem_alloc : memref<!tpu.dma_semaphore, #tpu.memory_space<semaphore_mem>>
        %dma_start3A_99 = arith.constant 0 : i32
        %dma_start3A_100 = tpu.memref_slice %arg8[%run_scoped3A_90, %dma_start3A_99] : memref<2x128xi32, #tpu.memory_space<vmem>> -> memref<1x128xi32, #tpu.memory_space<vmem>>
        %dma_start3A_101 = tpu.memref_squeeze %dma_start3A_100 : memref<1x128xi32, #tpu.memory_space<vmem>> -> memref<128xi32, #tpu.memory_space<vmem>>
        %dma_start3A_102 = arith.constant 0 : i32
        %dma_start3A_103 = arith.constant 0 : i32
        %dma_start3A_104 = tpu.memref_slice %arg11[%dma_start3A_102, %dma_start3A_103] : memref<10240x128xf32, #tpu.memory_space<vmem_shared>> -> memref<10240x128xf32, #tpu.memory_space<vmem_shared>>
        tpu.enqueue_indirect_dma source(%arg10 : memref<128x128xf32, #tpu.memory_space<vmem>>) target(%dma_start3A_104 : memref<10240x128xf32, #tpu.memory_space<vmem_shared>>) offsets(%dma_start3A_101 : memref<128xi32, #tpu.memory_space<vmem>>) semaphore(%run_scoped3A_98 : memref<!tpu.dma_semaphore, #tpu.memory_space<semaphore_mem>>) {add = true}
        %dma_wait3A_105 = arith.constant 0 : i32
        %dma_wait3A_106 = tpu.memref_slice %arg8[%run_scoped3A_90, %dma_wait3A_105] : memref<2x128xi32, #tpu.memory_space<vmem>> -> memref<1x128xi32, #tpu.memory_space<vmem>>
        %dma_wait3A_107 = tpu.memref_squeeze %dma_wait3A_106 : memref<1x128xi32, #tpu.memory_space<vmem>> -> memref<128xi32, #tpu.memory_space<vmem>>
        %dma_wait3A_108 = arith.constant 0 : i32
        %dma_wait3A_109 = arith.constant 0 : i32
        %dma_wait3A_110 = tpu.memref_slice %arg11[%dma_wait3A_108, %dma_wait3A_109] : memref<10240x128xf32, #tpu.memory_space<vmem_shared>> -> memref<10240x128xf32, #tpu.memory_space<vmem_shared>>
        tpu.wait_indirect_dma semaphore(%run_scoped3A_98 : memref<!tpu.dma_semaphore, #tpu.memory_space<semaphore_mem>>) src(%arg10 : memref<128x128xf32, #tpu.memory_space<vmem>>) dst(%dma_wait3A_110 : memref<10240x128xf32, #tpu.memory_space<vmem_shared>>)
        tpu.yield
      }) : () -> ()
      %add3A_91 = arith.constant 2 : i32
      %add3A_92 = arith.addi %add3A_75, %add3A_91 : i32
      %lt3A_93 = arith.constant 80 : i32
      %lt3A_94 = arith.cmpi slt, %add3A_92, %lt3A_93 : i32
      %convert_element_type3A_95 = arith.extui %lt3A_94 : i1 to i32
      %cond3A_96 = arith.constant 0 : i32
      %cond3A_97 = arith.cmpi ne, %convert_element_type3A_95, %cond3A_96 : i32
      scf.if %cond3A_97 {
        %add3A_98 = arith.constant 2 : i32
        %add3A_99 = arith.addi %add3A_75, %add3A_98 : i32
        %dma_start3A_100 = arith.constant 0 : i32
        %dma_start3A_101 = arith.constant 0 : i32
        %dma_start3A_102 = tpu.memref_slice %arg2[%add3A, %add3A_99, %dma_start3A_100, %dma_start3A_101] : memref<32x80x2x128xi32, #tpu.memory_space<hbm>> -> memref<1x1x2x128xi32, #tpu.memory_space<hbm>>
        %dma_start3A_103 = tpu.memref_squeeze %dma_start3A_102 : memref<1x1x2x128xi32, #tpu.memory_space<hbm>> -> memref<2x128xi32, #tpu.memory_space<hbm>>
        %dma_start3A_104 = arith.constant 0 : i32
        %dma_start3A_105 = arith.constant 0 : i32
        %dma_start3A_106 = tpu.memref_slice %arg2[%add3A, %add3A_99, %dma_start3A_104, %dma_start3A_105] : memref<32x80x2x128xi32, #tpu.memory_space<hbm>> -> memref<1x1x2x128xi32, #tpu.memory_space<hbm>>
        %dma_start3A_107 = tpu.memref_squeeze %dma_start3A_106 : memref<1x1x2x128xi32, #tpu.memory_space<hbm>> -> memref<2x128xi32, #tpu.memory_space<hbm>>
        tpu.enqueue_dma source(%dma_start3A_107 : memref<2x128xi32, #tpu.memory_space<hbm>>) target(%arg8 : memref<2x128xi32, #tpu.memory_space<vmem>>) target_semaphore(%arg13 : memref<!tpu.dma_semaphore, #tpu.memory_space<semaphore_mem>>)
      } else {
      }
    }
    %scan3A_38 = arith.constant 40 : i32
    %barrier3A_39 = arith.constant 0 : index
    tpu.barrier barrier_id(%barrier3A_39)
    %eq3A = arith.constant 0 : i32
    %eq3A_40 = arith.cmpi eq, %arg0, %eq3A : i32
    %convert_element_type3A = arith.extui %eq3A_40 : i1 to i32
    %cond3A = arith.constant 0 : i32
    %cond3A_41 = arith.cmpi ne, %convert_element_type3A, %cond3A : i32
    scf.if %cond3A_41 {
      "tpu.region"() ({
        %run_scoped3A = tpu.sem_alloc : memref<!tpu.dma_semaphore, #tpu.memory_space<semaphore_mem>>
        %dma_start3A_47 = arith.constant 0 : i32
        %dma_start3A_48 = tpu.memref_slice %arg5[%mul3A_2, %dma_start3A_47] : memref<10240x128xf32, #tpu.memory_space<hbm>> -> memref<640x128xf32, #tpu.memory_space<hbm>>
        %dma_start3A_49 = arith.constant 0 : i32
        %dma_start3A_50 = tpu.memref_slice %arg11[%mul3A_2, %dma_start3A_49] : memref<10240x128xf32, #tpu.memory_space<vmem_shared>> -> memref<640x128xf32, #tpu.memory_space<vmem_shared>>
        tpu.enqueue_dma source(%dma_start3A_50 : memref<640x128xf32, #tpu.memory_space<vmem_shared>>) target(%dma_start3A_48 : memref<640x128xf32, #tpu.memory_space<hbm>>) target_semaphore(%run_scoped3A : memref<!tpu.dma_semaphore, #tpu.memory_space<semaphore_mem>>)
        %dma_wait3A_51 = arith.constant 0 : i32
        %dma_wait3A_52 = tpu.memref_slice %arg5[%mul3A_2, %dma_wait3A_51] : memref<10240x128xf32, #tpu.memory_space<hbm>> -> memref<640x128xf32, #tpu.memory_space<hbm>>
        %dma_wait3A_53 = arith.constant 0 : i32
        %dma_wait3A_54 = tpu.memref_slice %arg11[%mul3A_2, %dma_wait3A_53] : memref<10240x128xf32, #tpu.memory_space<vmem_shared>> -> memref<640x128xf32, #tpu.memory_space<vmem_shared>>
        tpu.wait_dma2 semaphore(%run_scoped3A : memref<!tpu.dma_semaphore, #tpu.memory_space<semaphore_mem>>) src(%dma_wait3A_54 : memref<640x128xf32, #tpu.memory_space<vmem_shared>>) dst(%dma_wait3A_52 : memref<640x128xf32, #tpu.memory_space<hbm>>)
        tpu.yield
      }) : () -> ()
    } else {
    }
    %eq3A_42 = arith.constant 1 : i32
    %eq3A_43 = arith.cmpi eq, %arg0, %eq3A_42 : i32
    %convert_element_type3A_44 = arith.extui %eq3A_43 : i1 to i32
    %cond3A_45 = arith.constant 0 : i32
    %cond3A_46 = arith.cmpi ne, %convert_element_type3A_44, %cond3A_45 : i32
    scf.if %cond3A_46 {
      "tpu.region"() ({
        %run_scoped3A = tpu.sem_alloc : memref<!tpu.dma_semaphore, #tpu.memory_space<semaphore_mem>>
        %dma_start3A_47 = arith.constant 0 : i32
        %dma_start3A_48 = tpu.memref_slice %arg6[%mul3A_2, %dma_start3A_47] : memref<10240x128xf32, #tpu.memory_space<hbm>> -> memref<640x128xf32, #tpu.memory_space<hbm>>
        %dma_start3A_49 = arith.constant 0 : i32
        %dma_start3A_50 = tpu.memref_slice %arg11[%mul3A_2, %dma_start3A_49] : memref<10240x128xf32, #tpu.memory_space<vmem_shared>> -> memref<640x128xf32, #tpu.memory_space<vmem_shared>>
        tpu.enqueue_dma source(%dma_start3A_50 : memref<640x128xf32, #tpu.memory_space<vmem_shared>>) target(%dma_start3A_48 : memref<640x128xf32, #tpu.memory_space<hbm>>) target_semaphore(%run_scoped3A : memref<!tpu.dma_semaphore, #tpu.memory_space<semaphore_mem>>)
        %dma_wait3A_51 = arith.constant 0 : i32
        %dma_wait3A_52 = tpu.memref_slice %arg6[%mul3A_2, %dma_wait3A_51] : memref<10240x128xf32, #tpu.memory_space<hbm>> -> memref<640x128xf32, #tpu.memory_space<hbm>>
        %dma_wait3A_53 = arith.constant 0 : i32
        %dma_wait3A_54 = tpu.memref_slice %arg11[%mul3A_2, %dma_wait3A_53] : memref<10240x128xf32, #tpu.memory_space<vmem_shared>> -> memref<640x128xf32, #tpu.memory_space<vmem_shared>>
        tpu.wait_dma2 semaphore(%run_scoped3A : memref<!tpu.dma_semaphore, #tpu.memory_space<semaphore_mem>>) src(%dma_wait3A_54 : memref<640x128xf32, #tpu.memory_space<vmem_shared>>) dst(%dma_wait3A_52 : memref<640x128xf32, #tpu.memory_space<hbm>>)
        tpu.yield
      }) : () -> ()
    } else {
    }
    return
  }
}

module attributes {stable_mosaic.version = 14 : i64} {
  func.func @_tc1_body(%arg0: i32, %arg1: memref<1024x128xf32, #tpu.memory_space<vmem>>, %arg2: memref<128x256xf32, #tpu.memory_space<vmem>>, %arg3: memref<32x1024xf32, #tpu.memory_space<vmem>>, %arg4: memref<1024x128xf32, #tpu.memory_space<vmem>>, %arg5: memref<1024x128xf32, #tpu.memory_space<vmem>>) attributes {dimension_semantics = [#tpu.dimension_semantics<arbitrary>], iteration_bounds = array<i64: 10>, scalar_prefetch = 0 : i64, scratch_operands = 0 : i64, tpu.core_type = #tpu.core_type<tc>, window_params = [{transform_indices = @transform_0, window_bounds = array<i64: 1024, 128>}, {pipeline_mode = #tpu.pipeline_mode<synchronous>, transform_indices = @transform_1, window_bounds = array<i64: 128, 256>}, {transform_indices = @transform_2, window_bounds = array<i64: 32, 1024>}, {transform_indices = @transform_3, window_bounds = array<i64: 1024, 128>}, {transform_indices = @transform_4, window_bounds = array<i64: 1024, 128>}]} {
    %get3A = arith.constant 0 : index
    %get3A_0 = arith.constant 0 : index
    %get3A_1 = vector.load %arg3[%get3A, %get3A_0] : memref<32x1024xf32, #tpu.memory_space<vmem>>, vector<32x1024xf32>
    %reduce_sum3A = arith.constant dense<0.000000e+00> : vector<1024xf32>
    %reduce_sum3A_2 = vector.multi_reduction <add>, %get3A_1, %reduce_sum3A [0] : vector<32x1024xf32> to vector<1024xf32>
    %add3A = arith.constant 1.000000e+00 : f32
    %add3A_3 = vector.broadcast %add3A : f32 to vector<1024xf32>
    %add3A_4 = arith.addf %reduce_sum3A_2, %add3A_3 : vector<1024xf32>
    %rsqrt3A = math.rsqrt %add3A_4 : vector<1024xf32>
    %get3A_5 = arith.constant 0 : index
    %get3A_6 = arith.constant 0 : index
    %get3A_7 = vector.load %arg1[%get3A_5, %get3A_6] : memref<1024x128xf32, #tpu.memory_space<vmem>>, vector<1024x128xf32>
    %get3A_8 = arith.constant 0 : index
    %get3A_9 = arith.constant 0 : index
    %get3A_10 = vector.load %arg2[%get3A_8, %get3A_9] : memref<128x256xf32, #tpu.memory_space<vmem>>, vector<128x256xf32>
    %dot_general3A = arith.constant dense<0.000000e+00> : vector<1024x256xf32>
    %dot_general3A_11 = tpu.matmul %get3A_7, %get3A_10, %dot_general3A {dimension_numbers = #tpu.dot_dimension_numbers<[1], [0], [0], [1], [0, 0, 1, 1], [], []>, transpose_lhs_hint = false} : vector<1024x128xf32>, vector<128x256xf32>, vector<1024x256xf32> -> vector<1024x256xf32>
    %broadcast_in_dim3A = vector.shape_cast %rsqrt3A : vector<1024xf32> to vector<1024x1xf32>
    %mul3A = vector.broadcast %broadcast_in_dim3A : vector<1024x1xf32> to vector<1024x256xf32>
    %mul3A_12 = arith.mulf %dot_general3A_11, %mul3A : vector<1024x256xf32>
    %slice3A = vector.extract_strided_slice %mul3A_12 {offsets = [0, 0], sizes = [1024, 128], strides = [1, 1]} : vector<1024x256xf32> to vector<1024x128xf32>
    %swap3A = arith.constant 0 : index
    %swap3A_13 = arith.constant 0 : index
    %swap3A_14 = vector.load %arg4[%swap3A, %swap3A_13] : memref<1024x128xf32, #tpu.memory_space<vmem>>, vector<1024x128xf32>
    tpu.vector_store %arg4[%swap3A, %swap3A_13], %slice3A {strides = array<i32>} : memref<1024x128xf32, #tpu.memory_space<vmem>>, vector<1024x128xf32>,
    %slice3A_15 = vector.extract_strided_slice %mul3A_12 {offsets = [0, 128], sizes = [1024, 128], strides = [1, 1]} : vector<1024x256xf32> to vector<1024x128xf32>
    %swap3A_16 = arith.constant 0 : index
    %swap3A_17 = arith.constant 0 : index
    %swap3A_18 = vector.load %arg5[%swap3A_16, %swap3A_17] : memref<1024x128xf32, #tpu.memory_space<vmem>>, vector<1024x128xf32>
    tpu.vector_store %arg5[%swap3A_16, %swap3A_17], %slice3A_15 {strides = array<i32>} : memref<1024x128xf32, #tpu.memory_space<vmem>>, vector<1024x128xf32>,
    return
  }
  func.func @transform_0(%arg0: i32) -> (i32, i32) {
    %c0_i32 = arith.constant 0 : i32
    %c0_i32_0 = arith.constant 0 : i32
    return %arg0, %c0_i32 : i32, i32
  }
  func.func @transform_1(%arg0: i32) -> (i32, i32) {
    %c0_i32 = arith.constant 0 : i32
    %c0_i32_0 = arith.constant 0 : i32
    %c0_i32_1 = arith.constant 0 : i32
    return %c0_i32, %c0_i32_0 : i32, i32
  }
  func.func @transform_2(%arg0: i32) -> (i32, i32) {
    %c0_i32 = arith.constant 0 : i32
    %c0_i32_0 = arith.constant 0 : i32
    return %c0_i32, %arg0 : i32, i32
  }
  func.func @transform_3(%arg0: i32) -> (i32, i32) {
    %c0_i32 = arith.constant 0 : i32
    %c0_i32_0 = arith.constant 0 : i32
    return %arg0, %c0_i32 : i32, i32
  }
  func.func @transform_4(%arg0: i32) -> (i32, i32) {
    %c0_i32 = arith.constant 0 : i32
    %c0_i32_0 = arith.constant 0 : i32
    return %arg0, %c0_i32 : i32, i32
  }
}

module attributes {stable_mosaic.version = 14 : i64} {
  func.func @_tc2_body(%arg0: i32, %arg1: memref<1024x128xf32, #tpu.memory_space<vmem>>, %arg2: memref<1024x128xf32, #tpu.memory_space<vmem>>, %arg3: memref<1024x128xf32, #tpu.memory_space<vmem>>, %arg4: memref<1024x128xf32, #tpu.memory_space<vmem>>, %arg5: memref<32x1024xf32, #tpu.memory_space<vmem>>, %arg6: memref<256xf32, #tpu.memory_space<vmem>>, %arg7: memref<256x128xf32, #tpu.memory_space<vmem>>, %arg8: memref<1024x128xf32, #tpu.memory_space<vmem>>) attributes {dimension_semantics = [#tpu.dimension_semantics<arbitrary>], iteration_bounds = array<i64: 10>, scalar_prefetch = 0 : i64, scratch_operands = 0 : i64, tpu.core_type = #tpu.core_type<tc>, window_params = [{transform_indices = @transform_0, window_bounds = array<i64: 1024, 128>}, {transform_indices = @transform_1, window_bounds = array<i64: 1024, 128>}, {transform_indices = @transform_2, window_bounds = array<i64: 1024, 128>}, {transform_indices = @transform_3, window_bounds = array<i64: 1024, 128>}, {transform_indices = @transform_4, window_bounds = array<i64: 32, 1024>}, {pipeline_mode = #tpu.pipeline_mode<synchronous>, transform_indices = @transform_5, window_bounds = array<i64: 256>}, {pipeline_mode = #tpu.pipeline_mode<synchronous>, transform_indices = @transform_6, window_bounds = array<i64: 256, 128>}, {transform_indices = @transform_7, window_bounds = array<i64: 1024, 128>}]} {
    %get3A = arith.constant 0 : index
    %get3A_0 = arith.constant 0 : index
    %get3A_1 = vector.load %arg5[%get3A, %get3A_0] : memref<32x1024xf32, #tpu.memory_space<vmem>>, vector<32x1024xf32>
    %reduce_sum3A = arith.constant dense<0.000000e+00> : vector<1024xf32>
    %reduce_sum3A_2 = vector.multi_reduction <add>, %get3A_1, %reduce_sum3A [0] : vector<32x1024xf32> to vector<1024xf32>
    %add3A = arith.constant 1.000000e+00 : f32
    %add3A_3 = vector.broadcast %add3A : f32 to vector<1024xf32>
    %add3A_4 = arith.addf %reduce_sum3A_2, %add3A_3 : vector<1024xf32>
    %rsqrt3A = math.rsqrt %add3A_4 : vector<1024xf32>
    %get3A_5 = arith.constant 0 : index
    %get3A_6 = vector.load %arg6[%get3A_5] : memref<256xf32, #tpu.memory_space<vmem>>, vector<256xf32>
    %get3A_7 = arith.constant 0 : index
    %get3A_8 = arith.constant 0 : index
    %get3A_9 = vector.load %arg1[%get3A_7, %get3A_8] : memref<1024x128xf32, #tpu.memory_space<vmem>>, vector<1024x128xf32>
    %get3A_10 = arith.constant 0 : index
    %get3A_11 = arith.constant 0 : index
    %get3A_12 = vector.load %arg3[%get3A_10, %get3A_11] : memref<1024x128xf32, #tpu.memory_space<vmem>>, vector<1024x128xf32>
    %add3A_13 = arith.addf %get3A_9, %get3A_12 : vector<1024x128xf32>
    %broadcast_in_dim3A = vector.shape_cast %rsqrt3A : vector<1024xf32> to vector<1024x1xf32>
    %mul3A = vector.broadcast %broadcast_in_dim3A : vector<1024x1xf32> to vector<1024x128xf32>
    %mul3A_14 = arith.mulf %add3A_13, %mul3A : vector<1024x128xf32>
    %slice3A = vector.extract_strided_slice %get3A_6 {offsets = [0], sizes = [128], strides = [1]} : vector<256xf32> to vector<128xf32>
    %broadcast_in_dim3A_15 = vector.shape_cast %slice3A : vector<128xf32> to vector<1x128xf32>
    %add3A_16 = vector.broadcast %broadcast_in_dim3A_15 : vector<1x128xf32> to vector<1024x128xf32>
    %add3A_17 = arith.addf %mul3A_14, %add3A_16 : vector<1024x128xf32>
    %max3A = arith.constant 0.000000e+00 : f32
    %max3A_18 = vector.broadcast %max3A : f32 to vector<1024x128xf32>
    %max3A_19 = arith.maximumf %add3A_17, %max3A_18 : vector<1024x128xf32>
    %get3A_20 = arith.constant 0 : index
    %get3A_21 = arith.constant 0 : index
    %get3A_22 = vector.load %arg2[%get3A_20, %get3A_21] : memref<1024x128xf32, #tpu.memory_space<vmem>>, vector<1024x128xf32>
    %get3A_23 = arith.constant 0 : index
    %get3A_24 = arith.constant 0 : index
    %get3A_25 = vector.load %arg4[%get3A_23, %get3A_24] : memref<1024x128xf32, #tpu.memory_space<vmem>>, vector<1024x128xf32>
    %add3A_26 = arith.addf %get3A_22, %get3A_25 : vector<1024x128xf32>
    %broadcast_in_dim3A_27 = vector.shape_cast %rsqrt3A : vector<1024xf32> to vector<1024x1xf32>
    %mul3A_28 = vector.broadcast %broadcast_in_dim3A_27 : vector<1024x1xf32> to vector<1024x128xf32>
    %mul3A_29 = arith.mulf %add3A_26, %mul3A_28 : vector<1024x128xf32>
    %slice3A_30 = vector.extract_strided_slice %get3A_6 {offsets = [128], sizes = [128], strides = [1]} : vector<256xf32> to vector<128xf32>
    %broadcast_in_dim3A_31 = vector.shape_cast %slice3A_30 : vector<128xf32> to vector<1x128xf32>
    %add3A_32 = vector.broadcast %broadcast_in_dim3A_31 : vector<1x128xf32> to vector<1024x128xf32>
    %add3A_33 = arith.addf %mul3A_29, %add3A_32 : vector<1024x128xf32>
    %max3A_34 = arith.constant 0.000000e+00 : f32
    %max3A_35 = vector.broadcast %max3A_34 : f32 to vector<1024x128xf32>
    %max3A_36 = arith.maximumf %add3A_33, %max3A_35 : vector<1024x128xf32>
    %get3A_37 = arith.constant 0 : index
    %get3A_38 = arith.constant 0 : index
    %get3A_39 = vector.load %arg7[%get3A_37, %get3A_38] : memref<256x128xf32, #tpu.memory_space<vmem>>, vector<128x128xf32>
    %dot_general3A = arith.constant dense<0.000000e+00> : vector<1024x128xf32>
    %dot_general3A_40 = tpu.matmul %max3A_19, %get3A_39, %dot_general3A {dimension_numbers = #tpu.dot_dimension_numbers<[1], [0], [0], [1], [0, 0, 1, 1], [], []>, transpose_lhs_hint = false} : vector<1024x128xf32>, vector<128x128xf32>, vector<1024x128xf32> -> vector<1024x128xf32>
    %get3A_41 = arith.constant 128 : index
    %get3A_42 = arith.constant 0 : index
    %get3A_43 = vector.load %arg7[%get3A_41, %get3A_42] : memref<256x128xf32, #tpu.memory_space<vmem>>, vector<128x128xf32>
    %dot_general3A_44 = arith.constant dense<0.000000e+00> : vector<1024x128xf32>
    %dot_general3A_45 = tpu.matmul %max3A_36, %get3A_43, %dot_general3A_44 {dimension_numbers = #tpu.dot_dimension_numbers<[1], [0], [0], [1], [0, 0, 1, 1], [], []>, transpose_lhs_hint = false} : vector<1024x128xf32>, vector<128x128xf32>, vector<1024x128xf32> -> vector<1024x128xf32>
    %add3A_46 = arith.addf %dot_general3A_40, %dot_general3A_45 : vector<1024x128xf32>
    %broadcast_in_dim3A_47 = vector.shape_cast %rsqrt3A : vector<1024xf32> to vector<1024x1xf32>
    %mul3A_48 = vector.broadcast %broadcast_in_dim3A_47 : vector<1024x1xf32> to vector<1024x128xf32>
    %mul3A_49 = arith.mulf %add3A_46, %mul3A_48 : vector<1024x128xf32>
    %swap3A = arith.constant 0 : index
    %swap3A_50 = arith.constant 0 : index
    %swap3A_51 = vector.load %arg8[%swap3A, %swap3A_50] : memref<1024x128xf32, #tpu.memory_space<vmem>>, vector<1024x128xf32>
    tpu.vector_store %arg8[%swap3A, %swap3A_50], %mul3A_49 {strides = array<i32>} : memref<1024x128xf32, #tpu.memory_space<vmem>>, vector<1024x128xf32>,
    return
  }
  func.func @transform_0(%arg0: i32) -> (i32, i32) {
    %c0_i32 = arith.constant 0 : i32
    %c0_i32_0 = arith.constant 0 : i32
    return %arg0, %c0_i32 : i32, i32
  }
  func.func @transform_1(%arg0: i32) -> (i32, i32) {
    %c0_i32 = arith.constant 0 : i32
    %c0_i32_0 = arith.constant 0 : i32
    return %arg0, %c0_i32 : i32, i32
  }
  func.func @transform_2(%arg0: i32) -> (i32, i32) {
    %c0_i32 = arith.constant 0 : i32
    %c0_i32_0 = arith.constant 0 : i32
    return %arg0, %c0_i32 : i32, i32
  }
  func.func @transform_3(%arg0: i32) -> (i32, i32) {
    %c0_i32 = arith.constant 0 : i32
    %c0_i32_0 = arith.constant 0 : i32
    return %arg0, %c0_i32 : i32, i32
  }
  func.func @transform_4(%arg0: i32) -> (i32, i32) {
    %c0_i32 = arith.constant 0 : i32
    %c0_i32_0 = arith.constant 0 : i32
    return %c0_i32, %arg0 : i32, i32
  }
  func.func @transform_5(%arg0: i32) -> i32 {
    %c0_i32 = arith.constant 0 : i32
    %c0_i32_0 = arith.constant 0 : i32
    return %c0_i32 : i32
  }
  func.func @transform_6(%arg0: i32) -> (i32, i32) {
    %c0_i32 = arith.constant 0 : i32
    %c0_i32_0 = arith.constant 0 : i32
    %c0_i32_1 = arith.constant 0 : i32
    return %c0_i32, %c0_i32_0 : i32, i32
  }
  func.func @transform_7(%arg0: i32) -> (i32, i32) {
    %c0_i32 = arith.constant 0 : i32
    %c0_i32_0 = arith.constant 0 : i32
    return %arg0, %c0_i32 : i32, i32
  }
}

module attributes {stable_mosaic.version = 14 : i64} {
  func.func @_tc3_body(%arg0: i32, %arg1: memref<1024x128xf32, #tpu.memory_space<vmem>>, %arg2: memref<1024x128xf32, #tpu.memory_space<vmem>>, %arg3: memref<1024x128xf32, #tpu.memory_space<vmem>>, %arg4: memref<32x1024xf32, #tpu.memory_space<vmem>>, %arg5: memref<128xf32, #tpu.memory_space<vmem>>, %arg6: memref<1024x128xf32, #tpu.memory_space<vmem>>) attributes {dimension_semantics = [#tpu.dimension_semantics<arbitrary>], iteration_bounds = array<i64: 10>, scalar_prefetch = 0 : i64, scratch_operands = 0 : i64, tpu.core_type = #tpu.core_type<tc>, window_params = [{transform_indices = @transform_0, window_bounds = array<i64: 1024, 128>}, {transform_indices = @transform_1, window_bounds = array<i64: 1024, 128>}, {transform_indices = @transform_2, window_bounds = array<i64: 1024, 128>}, {transform_indices = @transform_3, window_bounds = array<i64: 32, 1024>}, {pipeline_mode = #tpu.pipeline_mode<synchronous>, transform_indices = @transform_4, window_bounds = array<i64: 128>}, {transform_indices = @transform_5, window_bounds = array<i64: 1024, 128>}]} {
    %get3A = arith.constant 0 : index
    %get3A_0 = arith.constant 0 : index
    %get3A_1 = vector.load %arg4[%get3A, %get3A_0] : memref<32x1024xf32, #tpu.memory_space<vmem>>, vector<32x1024xf32>
    %reduce_sum3A = arith.constant dense<0.000000e+00> : vector<1024xf32>
    %reduce_sum3A_2 = vector.multi_reduction <add>, %get3A_1, %reduce_sum3A [0] : vector<32x1024xf32> to vector<1024xf32>
    %add3A = arith.constant 1.000000e+00 : f32
    %add3A_3 = vector.broadcast %add3A : f32 to vector<1024xf32>
    %add3A_4 = arith.addf %reduce_sum3A_2, %add3A_3 : vector<1024xf32>
    %rsqrt3A = math.rsqrt %add3A_4 : vector<1024xf32>
    %get3A_5 = arith.constant 0 : index
    %get3A_6 = arith.constant 0 : index
    %get3A_7 = vector.load %arg1[%get3A_5, %get3A_6] : memref<1024x128xf32, #tpu.memory_space<vmem>>, vector<1024x128xf32>
    %get3A_8 = arith.constant 0 : index
    %get3A_9 = arith.constant 0 : index
    %get3A_10 = vector.load %arg2[%get3A_8, %get3A_9] : memref<1024x128xf32, #tpu.memory_space<vmem>>, vector<1024x128xf32>
    %add3A_11 = arith.addf %get3A_7, %get3A_10 : vector<1024x128xf32>
    %get3A_12 = arith.constant 0 : index
    %get3A_13 = arith.constant 0 : index
    %get3A_14 = vector.load %arg3[%get3A_12, %get3A_13] : memref<1024x128xf32, #tpu.memory_space<vmem>>, vector<1024x128xf32>
    %add3A_15 = arith.addf %add3A_11, %get3A_14 : vector<1024x128xf32>
    %broadcast_in_dim3A = vector.shape_cast %rsqrt3A : vector<1024xf32> to vector<1024x1xf32>
    %mul3A = vector.broadcast %broadcast_in_dim3A : vector<1024x1xf32> to vector<1024x128xf32>
    %mul3A_16 = arith.mulf %add3A_15, %mul3A : vector<1024x128xf32>
    %get3A_17 = arith.constant 0 : index
    %get3A_18 = vector.load %arg5[%get3A_17] : memref<128xf32, #tpu.memory_space<vmem>>, vector<128xf32>
    %broadcast_in_dim3A_19 = vector.shape_cast %get3A_18 : vector<128xf32> to vector<1x128xf32>
    %add3A_20 = vector.broadcast %broadcast_in_dim3A_19 : vector<1x128xf32> to vector<1024x128xf32>
    %add3A_21 = arith.addf %mul3A_16, %add3A_20 : vector<1024x128xf32>
    %swap3A = arith.constant 0 : index
    %swap3A_22 = arith.constant 0 : index
    %swap3A_23 = vector.load %arg6[%swap3A, %swap3A_22] : memref<1024x128xf32, #tpu.memory_space<vmem>>, vector<1024x128xf32>
    tpu.vector_store %arg6[%swap3A, %swap3A_22], %add3A_21 {strides = array<i32>} : memref<1024x128xf32, #tpu.memory_space<vmem>>, vector<1024x128xf32>,
    return
  }
  func.func @transform_0(%arg0: i32) -> (i32, i32) {
    %c0_i32 = arith.constant 0 : i32
    %c0_i32_0 = arith.constant 0 : i32
    return %arg0, %c0_i32 : i32, i32
  }
  func.func @transform_1(%arg0: i32) -> (i32, i32) {
    %c0_i32 = arith.constant 0 : i32
    %c0_i32_0 = arith.constant 0 : i32
    return %arg0, %c0_i32 : i32, i32
  }
  func.func @transform_2(%arg0: i32) -> (i32, i32) {
    %c0_i32 = arith.constant 0 : i32
    %c0_i32_0 = arith.constant 0 : i32
    return %arg0, %c0_i32 : i32, i32
  }
  func.func @transform_3(%arg0: i32) -> (i32, i32) {
    %c0_i32 = arith.constant 0 : i32
    %c0_i32_0 = arith.constant 0 : i32
    return %c0_i32, %arg0 : i32, i32
  }
  func.func @transform_4(%arg0: i32) -> i32 {
    %c0_i32 = arith.constant 0 : i32
    %c0_i32_0 = arith.constant 0 : i32
    return %c0_i32 : i32
  }
  func.func @transform_5(%arg0: i32) -> (i32, i32) {
    %c0_i32 = arith.constant 0 : i32
    %c0_i32_0 = arith.constant 0 : i32
    return %arg0, %c0_i32 : i32, i32
  }
}

</mosaic_0001>

<sc_bundles>
// kernel: kernel.11.cloned.1.call-start
scs
__scs_entry_jumppad:
0x0: {  	(pc) =	sbr.rel $0x88, $3  }
0x1: {  	(tag) =	ssettag $0x0;
	lr =	simm.s32 $0x1  }
0x2: {  	[smem:$0x3F9B] =	sst lr;
	_ =	strace $0xD0000000  }
0x3: {  	_ = 	snop  }
0x4: {  	_ = 	snop  }
0x5: {  	_ = 	snop  }
0x6: {  	_ = 	snop  }
0x7: {  	_ = 	snop  }
__scs_overlays_trampoline_lowered:
0x8: {  	[smem:$0x3FAA] =	sst s0  }
0x9: {  	[smem:$0x3FAB] =	sst s1  }
0xa: {  	[smem:$0x3FAC] =	sst s2  }
0xb: {  	[smem:$0x3FAD] =	sst s3  }
0xc: {  	[smem:$0x3FAE] =	sst s4  }
0xd: {  	[smem:$0x3FAF] =	sst s5  }
0xe: {  	[smem:$0x3FB0] =	sst s6  }
0xf: {  	[smem:$0x3FB1] =	sst s7  }
0x10: {  	[smem:$0x3FB2] =	sst s8  }
0x11: {  	[smem:$0x3FB3] =	sst s9;
	s0 =	simm.s32 @!p0 $0x0  }
0x12: {  	s1 =	sld [smem:$0x3F99];
	s0 =	simm.s32 @p0 $0x1  }
0x13: {  	[smem:$0x3FB4] =	sst s0;
	s0 =	simm.s32 @!p1 $0x0  }
0x14: {  	s2 =	sld [smem:$0x3F98];
	s0 =	simm.s32 @p1 $0x1  }
0x15: {  	[smem:$0x3FB5] =	sst s0;
	s0 =	simm.s32 @!p2 $0x0  }
0x16: {  	s3 =	sld [smem:$0x3FDB];
	s0 =	simm.s32 @p2 $0x1  }
0x17: {  	s4 =	simm.s32 $0x1BF5;
	[smem:$0x3FB7] =	sst s0  }
0x18: {  	s0 =	sld [smem:$0x3F9A];
	_ =	swait.ge [sflag:s4], $0x0  }
0x19: {  	s7 =	sld [smem:$0x3F9B]  }
0x1a: {  	s8 =	sadd.s32 $0xFFFFE003, lr  }
0x1b: {  	s9 =	sadd.s32 $0xFFFFFEF7, lr;
	s5 =	simm.s32 $0xFFFFFFFF;
	p2 =	slt.u32 s8, $0xFFFFF086  }
0x1c: {  	p1 =	slt.u32 s9, $0xF7A;
	s5 =	simm.s32 @!p2 $0x0  }
0x1d: {  	s5 =	simm.s32 @p1 $0x1;
	p0 =	seq.s32 s7, s2  }
0x1e: {  	s7 =	smul.u32 @!p0 $0xF7A, s2;
	p2 =	seq.s32 @!p0 s5, $0x0  }
0x1f: {  	s9 =	smul.u32 $0xF7A, s1;
	s8 =	simm.s32 @!p0 $0x1BF5;
	p2 =	por !p2, p0  }
0x20: {  	[sflag:s8] =	ssyncset.s32 @!p0 $0xFFFFF086;
	s6 =	sadd.s32 @!p0 s3, s7;
	s7 =	simm.s32 @!p0 $0x108  }
0x21: {  	s3 =	sadd.s32 s3, s9;
	s6 =	sadd.s32 @!p0 $0x88, s6;
	s7 =	simm.s32 @p2 $0x1082  }
0x22: {  	[simem:s7], [sflag:s8] =	dma.local @!p0 [hbm:s6], $0xF7A  }
0x23: {  	s9 =	sor.u32 $0xD0000000, s2;
	s6 =	simm.s32 $0x108;
	_ =	swait.ge @!p0 [sflag:s8], $0x0  }
0x24: {  	s3 =	sadd.s32 $0x88, s3;
	s6 =	simm.s32 @!p1 $0x1082;
	[sflag:s4] =	ssyncset.s32 $0xFFFFF086  }
0x25: {  	[simem:s6], [sflag:s4] =	dma.local [hbm:s3], $0xF7A  }
0x26: {  	[smem:$0x3F9B] =	sst s1;
	(tag) =	ssettag s2;
	_ =	strace s9  }
0x27: {  	s1 =	sld [smem:$0x3FAB]  }
0x28: {  	s2 =	sld [smem:$0x3FAC]  }
0x29: {  	s4 =	sld [smem:$0x3FAE]  }
0x2a: {  	p0 =	seq.s32 s5, $0x0;
	s5 =	sld [smem:$0x3FAF]  }
0x2b: {  	s6 =	sld [smem:$0x3FB0]  }
0x2c: {  	s7 =	sld [smem:$0x3FB1]  }
0x2d: {  	s3 =	simm.s32 $0x108;
	s8 =	sld [smem:$0x3FB2]  }
0x2e: {  	s3 =	simm.s32 @!p0 $0x1082;
	s9 =	sld [smem:$0x3FB3]  }
0x2f: {  	lr =	sadd.s32 s0, s3;
	s0 =	sld [smem:$0x3FAA]  }
0x30: {  	s3 =	sld [smem:$0x3FAD]  }
0x31: {  	[smem:$0x3FB6] =	sst s10  }
0x32: {  	s10 =	sld [smem:$0x3FB4];
	_ =	sdelay $0x3  }
0x33: {  	p0 =	seq.s32 s10, $0x1;
	s10 =	sld [smem:$0x3FB6];
	_ =	sdelay $0x3  }
0x34: {  	[smem:$0x3FB6] =	sst s10  }
0x35: {  	s10 =	sld [smem:$0x3FB5];
	_ =	sdelay $0x3  }
0x36: {  	p1 =	seq.s32 s10, $0x1;
	s10 =	sld [smem:$0x3FB6];
	_ =	sdelay $0x3  }
0x37: {  	[smem:$0x3FB6] =	sst s10  }
0x38: {  	s10 =	sld [smem:$0x3FB7]  }
0x39: {  	_ = 	snop;
	(pc) =	sbr.ind lr, $3  }
0x3a: {  	_ = 	snop  }
0x3b: {  	_ = 	snop  }
0x3c: {  	p2 =	seq.s32 s10, $0x1;
	s10 =	sld [smem:$0x3FB6]  }
0x3d: {  	_ =	shalt  }
0x3e: {  	_ =	shalt  }
0x3f: {  	_ =	shalt  }
0x40: {  	_ =	shalt  }
0x41: {  	_ =	shalt  }
0x42: {  	_ =	shalt  }
0x43: {  	_ =	shalt  }
0x44: {  	_ =	shalt  }
0x45: {  	_ =	shalt  }
0x46: {  	_ =	shalt  }
0x47: {  	_ =	shalt  }
0x48: {  	_ =	shalt  }
0x49: {  	_ =	shalt  }
0x4a: {  	_ =	shalt  }
0x4b: {  	_ =	shalt  }
0x4c: {  	_ =	shalt  }
0x4d: {  	_ =	shalt  }
0x4e: {  	_ =	shalt  }
0x4f: {  	_ =	shalt  }
0x50: {  	_ =	shalt  }
0x51: {  	_ =	shalt  }
0x52: {  	_ =	shalt  }
0x53: {  	_ =	shalt  }
0x54: {  	_ =	shalt  }
0x55: {  	_ =	shalt  }
0x56: {  	_ =	shalt  }
0x57: {  	_ =	shalt  }
0x58: {  	_ =	shalt  }
0x59: {  	_ =	shalt  }
0x5a: {  	_ =	shalt  }
0x5b: {  	_ =	shalt  }
0x5c: {  	_ =	shalt  }
0x5d: {  	_ =	shalt  }
0x5e: {  	_ =	shalt  }
0x5f: {  	_ =	shalt  }
0x60: {  	_ =	shalt  }
0x61: {  	_ =	shalt  }
0x62: {  	_ =	shalt  }
0x63: {  	_ =	shalt  }
0x64: {  	_ =	shalt  }
0x65: {  	_ =	shalt  }
0x66: {  	_ =	shalt  }
0x67: {  	_ =	shalt  }
0x68: {  	_ =	shalt  }
0x69: {  	_ =	shalt  }
0x6a: {  	_ =	shalt  }
0x6b: {  	_ =	shalt  }
0x6c: {  	_ =	shalt  }
0x6d: {  	_ =	shalt  }
0x6e: {  	_ =	shalt  }
0x6f: {  	_ =	shalt  }
0x70: {  	_ =	shalt  }
0x71: {  	_ =	shalt  }
0x72: {  	_ =	shalt  }
0x73: {  	_ =	shalt  }
0x74: {  	_ =	shalt  }
0x75: {  	_ =	shalt  }
0x76: {  	_ =	shalt  }
0x77: {  	_ =	shalt  }
0x78: {  	_ =	shalt  }
0x79: {  	_ =	shalt  }
0x7a: {  	_ =	shalt  }
0x7b: {  	_ =	shalt  }
0x7c: {  	_ =	shalt  }
0x7d: {  	_ =	shalt  }
0x7e: {  	_ =	shalt  }
0x7f: {  	_ =	shalt  }
0x80: {  	_ =	shalt  }
0x81: {  	_ =	shalt  }
0x82: {  	_ =	shalt  }
0x83: {  	_ =	shalt  }
0x84: {  	_ =	shalt  }
0x85: {  	_ =	shalt  }
0x86: {  	_ =	shalt  }
0x87: {  	_ =	shalt  }
.Lfunc_end0:
.L_simem_size_0:
called_computation.1_lowered:
.L_overlay_start_0:
0x88: {  	s2 =	sld [smem:$0x3FD9]  }
0x89: {  	s3 =	sld [smem:$0x3FFE];
	_ =	sdelay $0x1  }
0x8a: {  	s1 =	srdreg.scid  }
0x8b: {  	s0 =	sand.u32 $0x1, s1  }
0x8c: {  	s16 =	sshll.u32 s0, $0xA;
	s2 =	sadd.s32 s3, s2  }
0x8d: {  	s2 =	sadd.s32 s2, s16  }
0x8e: {  	[smem:$0x3FC2] =	sst s2  }
0x8f: {  	_ = 	snop  }
0x90: {  	(tm) =	ssettm $0x1  }
0x91: {  	s17 =	sld [smem:$0x3FFB];
	_ =	sdelay $0x3  }
0x92: {  	_ =	strace s17  }
0x93: {  	s2 =	sld [smem:$0x3FFC];
	_ =	sdelay $0x3  }
0x94: {  	_ =	strace s2  }
0x95: {  	s2 =	sld [smem:$0x3FFD];
	_ =	sdelay $0x3  }
0x96: {  	_ =	strace s2  }
0x97: {  	_ =	strace $0x8FFFFFFF  }
0x98: {  	s18 =	sld [smem:$0x3FDB];
	_ =	sdelay $0x1  }
0x99: {  	s19 =	simm.s32 $_scs_section_size  }
0x9a: {  	s4 =	simm.s32 $_size__tile_overlayer_lowered;
	s5 =	simm.s32 $_tile_overlayer_lowered  }
0x9b: {  	s22 =	simm.s32 $0x1BFF;
	s21 =	sshll.u32 s5, $0x1;
	s2 =	sadd.s32 s19, s18  }
0x9c: {  	s6 =	simm.s32 $0x0;
	s20 =	sshll.u32 s4, $0x1;
	s4 =	sadd.s32 s21, s2  }
0x9d: {  	[timem:s6], [sflag:s22] =	dma.local [hbm:s4], s20  }
0x9e: {  	_ =	swait.ge [sflag:s22], s20  }
0x9f: {  	s3 =	ssub.s32 $0x0, s20;
	[sflag:s22] =	ssyncset.done $0x0  }
0xa0: {  	[sflag:s22] =	ssyncadd.s32 s3;
	_ =	sdelay $0x1  }
0xa1: {  	s23 =	simm.s32 $0x1B8B  }
0xa2: {  	_ =	swait.ge [sflag:s23], $0x1  }
0xa3: {  	[sflag:s23] =	ssyncset.done $0x0  }
0xa4: {  	s25 =	simm.s32 $0x1B8E;
	s24 =	sld [smem:$0x3FFE];
	[sflag:s23] =	ssyncadd.s32 $0xFFFFFFFF  }
0xa5: {  	s26 =	simm.s32 $execute0_lowered;
	[smem:$0x3FD2] =	sst s25  }
0xa6: {  	s4 =	sshll.u32 s26, $0x1;
	_ =	strace $0x80000049;
	[dreg:$0x1] =	wrdreg $0xFFFFFFFF  }
0xa7: {  	s28 =	simm.s32 $_size_execute0_lowered;
	s2 =	sadd.s32 s2, s4;
	[dreg:$0x0] =	wrdreg $0x0  }
0xa8: {  	s4 =	sshll.u32 s28, $0x1;
	[dreg:$0x2] =	wrdreg s2  }
0xa9: {  	[dreg:$0x3] =	wrdreg s4  }
0xaa: {  	[dreg:$0x4] =	wrdreg $0xC0  }
0xab: {  	_ =	task [dreg:s6], $0x5FFFF  }
0xac: {  	[dreg:$0x1] =	wrdreg $0xFFFFFFFF  }
0xad: {  	[dreg:$0x0] =	wrdreg $0x60  }
0xae: {  	[dreg:$0x2] =	wrdreg s24  }
0xaf: {  	[dreg:$0x3] =	wrdreg $0x82000  }
0xb0: {  	[dreg:$0x4] =	wrdreg $0x9  }
0xb1: {  	_ =	task.clear_ibuf [dreg:s6], $0x5FFFF;
	_ =	strace $0x90000049  }
0xb2: {  	s29 =	simm.s32 $0x9;
	_ =	strace $0x8000004B  }
0xb3: {  	_ =	swait.ge [sflag:s29], $0x1  }
0xb4: {  	[sflag:s29] =	ssyncadd.s32 $0xFFFFFFFF  }
0xb5: {  	_ =	strace $0x9000004B  }
0xb6: {  	_ =	sfence  }
0xb7: {  	s30 =	sld [smem:$0x0];
	_ =	sdelay $0x2  }
0xb8: {  	s31 =	sshll.u32 s1, $0xD;
	s1 =	sshrl.u32 s1, $0x2  }
0xb9: {  	s3 =	sand.u32 $0x4000, s31;
	s1 =	sadd.s32 s1, s30  }
0xba: {  	s0 =	sor.u32 s3, s0;
	s1 =	sshll.u32 s1, $0x11  }
0xbb: {  	s0 =	sor.u32 s1, s0  }
0xbc: {  	s0 =	sadd.s32 $0x8F2B, s0  }
0xbd: {  	[sflag:s0] =	ssyncadd.remote.s32 $0x1  }
0xbe: {  	_ =	sfence.sel $0xFFFF  }
0xbf: {  	[dreg:$0x0] =	wrdreg $0xFFFFFFFF;
	(pc) =	sbr.abs _section_cstart, $3  }
0xc0: {  	[dreg:$0x1] =	wrdreg $0xFFFFFFFF  }
0xc1: {  	_ =	task.clear_ibuf [dreg:s6], $0x2FFFF;
	_ =	strace $0x9FFFFFFF  }
0xc2: {  	(tm) =	ssettm $0x7FFFFFFF  }
0xc3: {  	_ =	shalt  }
tec
execute0_lowered:
.L_overlay_start_1:
0x0: {  	(tag) =	ssettag $0x1  }
0x1: {  	s8 =	rddreg [dreg:$0x0]  }
0x2: {  	s1 =	rddreg [dreg:$0x1]  }
0x3: {  	s0 =	rddreg [dreg:$0x2]  }
0x4: {  	s2 =	simm.s32 $0x0;
	s7 =	srdreg.scid;
	s3 =	stileid.u32  }
0x5: {  	s17 =	simm.s32 $0x100;
	s18 =	simm.s32 $0x1;
	s19 =	simm.s32 $0x80  }
0x6: {  	s20 =	simm.s32 $0x200;
	s21 =	simm.s32 $0x2;
	s22 =	simm.s32 $0x4200  }
0x7: {  	s23 =	simm.s32 $0x3;
	s24 =	simm.s32 $0x4;
	s25 =	simm.s32 $0x180  }
0x8: {  	s26 =	simm.s32 $0x0;
	[smem:$0x7FF] =	sst s2;
	s14 =	sadd.s32 $0xD400, s8  }
0x9: {  	s4 =	sadd.s32 $0x49000, s8;
	s5 =	sadd.s32 $0x21000, s8;
	s6 =	sadd.s32 $0x71000, s8  }
0xa: {  	s11 =	sand.u32 $0x1, s7;
	s9 =	smul.u32 $0x50000, s3;
	s7 =	sadd.s32 $0x99000, s8  }
0xb: {  	s12 =	smul.u32 $0x9E00, s3;
	s8 =	sadd.s32 $0xC1000, s8;
	s31 =	sshll.u32 s3, $0x6  }
0xc: {  	s16 =	smul.u32 $0x13C0, s3;
	_ =	strace $0x8000004A;
	s10 =	ssub.s32 $0x2, s11  }
.Ltmp0:
0xd: {  	p0 =	seq.s32 s11, $0x1;
	s13 =	sshrl.u32 s10, $0x1;
	(pc) =	sbr.rel .LBB2_1-.Ltmp0, $4  }
0xe: {  	s9 =	sshrl.u32 s9, $0x2;
	s30 =	sshrl.u32 s12, $0x3;
	s12 =	smul.u32 $0x2800, s3  }
0xf: {  	s13 =	ssub.s32 s10, s13;
	s15 =	sadd.s32 s9, s1;
	s9 =	sadd.s32 s14, s30  }
0x10: {  	s10 =	sor.u32 $0x1C05, s31;
	s14 =	sadd.s32 s16, s14;
	s16 =	simm.s32 $0x5  }
0x11: {  	s11 =	sadd.s32 $0x20, s9;
	s13 =	smax.u32 s13, $0x1;
	s15 =	sshrl.u32 s15, $0x3  }
.LBB2_7:
0x12: {  	[tilespmem:s17], [sflag:$0x2] =	stream.linear.gather [hbm4b:s29+s2], $0x100, $0x38;
	[tilespmem:$0x1C200] =	vst v63  }
0x13: {  	s29 =	smov.u32 s5;
	s28 =	smov.u32 s8  }
.LBB2_8:
0x14: {  	_ =	swait.ge [sflag:s21], $0x100  }
0x15: {  	[sflag:s21] =	ssyncset.done $0x0  }
0x16: {  	[sflag:s21] =	ssyncadd.s32 $0xFFFFFF00  }
0x17: {  	[tilespmem:s22], [sflag:$0x4] =	stream.indirect.gather [hbm4b:s29+s19], $0x80, s17, s19, $0xb8;
	[tilespmem:$0x1C200] =	vst v63  }
0x18: {  	_ =	swait.ge [sflag:s23], $0x4000  }
0x19: {  	[sflag:s23] =	ssyncset.done $0x0  }
0x1a: {  	[sflag:s23] =	ssyncadd.s32 $0xFFFFC000  }
0x1b: {  	[spmem:s1] =	stream.indirect.scatter.add.f32 [tilespmem:s20], [sflag:$0x5], $0x80, s19, s19, $0xb8;
	[tilespmem:$0x1C200] =	vst v63  }
0x1c: {  	_ =	swait.ge [sflag:s16], $0x4000  }
0x1d: {  	[sflag:s16] =	ssyncset.done $0x0  }
0x1e: {  	[sflag:s16] =	ssyncadd.s32 $0xFFFFC000  }
0x1f: {  	_ =	swait.ge [sflag:s24], $0x4000  }
0x20: {  	[sflag:s24] =	ssyncset.done $0x0  }
0x21: {  	[sflag:s24] =	ssyncadd.s32 $0xFFFFC000  }
0x22: {  	[spmem:s1] =	stream.indirect.scatter.add.f32 [tilespmem:s22], [sflag:$0x5], $0x80, s25, s19, $0xb8;
	[tilespmem:$0x1C200] =	vst v63  }
0x23: {  	_ =	swait.ge [sflag:s16], $0x4000  }
0x24: {  	s26 =	sadd.s32 $0x1, s26;
	[sflag:s16] =	ssyncset.done $0x0  }
0x25: {  	p1 =	sne.s32 s26, s13;
	[sflag:s16] =	ssyncadd.s32 $0xFFFFC000  }
.Ltmp1:
0x26: {  	s28 =	sadd.s32 s28, s12;
	[bflag:$0x0] =	sbarrier.arrive $0xFFFF;
	(pc) =	sbr.rel @!p1 .LBB2_9-.Ltmp1, $4  }
0x27: {  	[hbm:s28], [sflag:s10] =	dma.local [spmem:s15], $0x2800  }
0x28: {  	_ =	swait.ge [sflag:s16], $0x2800  }
0x29: {  	[sflag:s16] =	ssyncset.done $0x0  }
0x2a: {  	[sflag:s16] =	ssyncadd.s32 $0xFFFFD800  }
.LBB2_1:
0x2b: {  	[spmem:s15], [sflag:s10] =	dma.local [hbm:s6], $0x2800  }
0x2c: {  	_ =	swait.ge [sflag:s16], $0x2800  }
0x2d: {  	[sflag:s16] =	ssyncset.done $0x0  }
0x2e: {  	[sflag:s16] =	ssyncadd.s32 $0xFFFFD800  }
0x2f: {  	[bflag:$0x0] =	sbarrier.arrive $0xFFFF  }
0x30: {  	[tilespmem:s2], [sflag:$0x1] =	stream.linear.gather [hbm4b:s9+s2], $0x100, $0x38;
	[tilespmem:$0x1C200] =	vst v63  }
.Ltmp2:
0x31: {  	_ = 	snop;
	(pc) =	sbr.rel @!p0 .LBB2_2-.Ltmp2, $4  }
0x32: {  	[tilespmem:s17], [sflag:$0x2] =	stream.linear.gather [hbm4b:s11+s2], $0x100, $0x38;
	[tilespmem:$0x1C200] =	vst v63  }
0x33: {  	_ =	swait.ge [sflag:s18], $0x100  }
0x34: {  	[sflag:s18] =	ssyncset.done $0x0  }
0x35: {  	[sflag:s18] =	ssyncadd.s32 $0xFFFFFF00  }
0x36: {  	[tilespmem:s20], [sflag:$0x3] =	stream.indirect.gather [hbm4b:s5+s19], $0x80, s2, s19, $0xb8;
	[tilespmem:$0x1C200] =	vst v63  }
0x37: {  	_ =	swait.ge [sflag:s21], $0x100  }
0x38: {  	[sflag:s21] =	ssyncset.done $0x0  }
0x39: {  	[sflag:s21] =	ssyncadd.s32 $0xFFFFFF00  }
0x3a: {  	[tilespmem:s22], [sflag:$0x4] =	stream.indirect.gather [hbm4b:s5+s19], $0x80, s17, s19, $0xb8;
	[tilespmem:$0x1C200] =	vst v63  }
0x3b: {  	_ =	swait.ge [sflag:s23], $0x4000  }
0x3c: {  	[sflag:s23] =	ssyncset.done $0x0  }
0x3d: {  	[sflag:s23] =	ssyncadd.s32 $0xFFFFC000  }
0x3e: {  	[spmem:s1] =	stream.indirect.scatter.add.f32 [tilespmem:s20], [sflag:$0x5], $0x80, s19, s19, $0xb8;
	[tilespmem:$0x1C200] =	vst v63  }
0x3f: {  	_ =	swait.ge [sflag:s16], $0x4000  }
0x40: {  	s29 =	sadd.s32 $0xFFFFEC80, s14;
	[sflag:s16] =	ssyncset.done $0x0  }
0x41: {  	s28 =	sadd.s32 $0x13C0, s29;
	[sflag:s16] =	ssyncadd.s32 $0xFFFFC000  }
0x42: {  	[tilespmem:s2], [sflag:$0x1] =	stream.linear.gather [hbm4b:s28+s2], $0x100, $0x38;
	[tilespmem:$0x1C200] =	vst v63  }
0x43: {  	_ =	swait.ge [sflag:s18], $0x100  }
0x44: {  	[sflag:s18] =	ssyncset.done $0x0  }
0x45: {  	[sflag:s18] =	ssyncadd.s32 $0xFFFFFF00  }
0x46: {  	[tilespmem:s20], [sflag:$0x3] =	stream.indirect.gather [hbm4b:s5+s19], $0x80, s2, s19, $0xb8;
	[tilespmem:$0x1C200] =	vst v63  }
0x47: {  	_ =	swait.ge [sflag:s24], $0x4000  }
0x48: {  	[sflag:s24] =	ssyncset.done $0x0  }
0x49: {  	[sflag:s24] =	ssyncadd.s32 $0xFFFFC000  }
0x4a: {  	[spmem:s1] =	stream.indirect.scatter.add.f32 [tilespmem:s22], [sflag:$0x5], $0x80, s25, s19, $0xb8;
	[tilespmem:$0x1C200] =	vst v63  }
0x4b: {  	_ =	swait.ge [sflag:s16], $0x4000  }
0x4c: {  	[sflag:s16] =	ssyncset.done $0x0  }
0x4d: {  	s29 =	sadd.s32 $0x13E0, s29;
	s28 =	simm.s32 $0xFFFFECC0;
	[sflag:s16] =	ssyncadd.s32 $0xFFFFC000  }
.LBB2_6:
0x4e: {  	[tilespmem:s17], [sflag:$0x2] =	stream.linear.gather [hbm4b:s29+s2], $0x100, $0x38;
	[tilespmem:$0x1C200] =	vst v63  }
0x4f: {  	s29 =	smov.u32 s28  }
0x50: {  	p1 =	sne.s32 s28, $0xFFFFFFC0;
	s28 =	sadd.s32 $0x40, s28;
	_ =	swait.ge [sflag:s21], $0x100  }
0x51: {  	[sflag:s21] =	ssyncset.done $0x0  }
0x52: {  	[sflag:s21] =	ssyncadd.s32 $0xFFFFFF00  }
0x53: {  	[tilespmem:s22], [sflag:$0x4] =	stream.indirect.gather [hbm4b:s5+s19], $0x80, s17, s19, $0xb8;
	[tilespmem:$0x1C200] =	vst v63  }
0x54: {  	_ =	swait.ge [sflag:s23], $0x4000  }
0x55: {  	[sflag:s23] =	ssyncset.done $0x0  }
0x56: {  	[sflag:s23] =	ssyncadd.s32 $0xFFFFC000  }
0x57: {  	[spmem:s1] =	stream.indirect.scatter.add.f32 [tilespmem:s20], [sflag:$0x5], $0x80, s19, s19, $0xb8;
	[tilespmem:$0x1C200] =	vst v63  }
0x58: {  	_ =	swait.ge [sflag:s16], $0x4000  }
0x59: {  	s29 =	sadd.s32 s29, s14;
	[sflag:s16] =	ssyncset.done $0x0  }
0x5a: {  	s30 =	sadd.s32 $0x13C0, s29;
	[sflag:s16] =	ssyncadd.s32 $0xFFFFC000  }
0x5b: {  	[tilespmem:s2], [sflag:$0x1] =	stream.linear.gather [hbm4b:s30+s2], $0x100, $0x38;
	[tilespmem:$0x1C200] =	vst v63  }
0x5c: {  	_ =	swait.ge [sflag:s18], $0x100  }
0x5d: {  	[sflag:s18] =	ssyncset.done $0x0  }
0x5e: {  	[sflag:s18] =	ssyncadd.s32 $0xFFFFFF00  }
0x5f: {  	[tilespmem:s20], [sflag:$0x3] =	stream.indirect.gather [hbm4b:s5+s19], $0x80, s2, s19, $0xb8;
	[tilespmem:$0x1C200] =	vst v63  }
0x60: {  	_ =	swait.ge [sflag:s24], $0x4000  }
0x61: {  	[sflag:s24] =	ssyncset.done $0x0  }
.Ltmp3:
0x62: {  	[sflag:s24] =	ssyncadd.s32 $0xFFFFC000;
	(pc) =	sbr.rel @p1 .LBB2_6-.Ltmp3, $4  }
0x63: {  	[spmem:s1] =	stream.indirect.scatter.add.f32 [tilespmem:s22], [sflag:$0x5], $0x80, s25, s19, $0xb8;
	[tilespmem:$0x1C200] =	vst v63  }
0x64: {  	_ =	swait.ge [sflag:s16], $0x4000  }
0x65: {  	[sflag:s16] =	ssyncset.done $0x0  }
0x66: {  	s29 =	sadd.s32 $0x13E0, s29;
	[sflag:s16] =	ssyncadd.s32 $0xFFFFC000  }
.Ltmp4:
0x67: {  	_ = 	snop;
	(pc) =	sbr.rel .LBB2_7-.Ltmp4, $1  }
0x68: {  	_ =	sdelay $0x3  }
.LBB2_2:
0x69: {  	[tilespmem:s20], [sflag:$0x3] =	stream.indirect.gather [hbm4b:s4+s19], $0x80, s2, s19, $0xb8;
	[tilespmem:$0x1C200] =	vst v63  }
0x6a: {  	_ =	swait.ge [sflag:s21], $0x100  }
0x6b: {  	[sflag:s21] =	ssyncset.done $0x0  }
0x6c: {  	[sflag:s21] =	ssyncadd.s32 $0xFFFFFF00  }
0x6d: {  	[tilespmem:s22], [sflag:$0x4] =	stream.indirect.gather [hbm4b:s4+s19], $0x80, s17, s19, $0xb8;
	[tilespmem:$0x1C200] =	vst v63  }
0x6e: {  	_ =	swait.ge [sflag:s23], $0x4000  }
0x6f: {  	[sflag:s23] =	ssyncset.done $0x0  }
0x70: {  	[sflag:s23] =	ssyncadd.s32 $0xFFFFC000  }
0x71: {  	[spmem:s1] =	stream.indirect.scatter.add.f32 [tilespmem:s20], [sflag:$0x5], $0x80, s19, s19, $0xb8;
	[tilespmem:$0x1C200] =	vst v63  }
0x72: {  	_ =	swait.ge [sflag:s16], $0x4000  }
0x73: {  	s29 =	sadd.s32 $0xFFFFEC80, s14;
	[sflag:s16] =	ssyncset.done $0x0  }
0x74: {  	s28 =	sadd.s32 $0x13C0, s29;
	[sflag:s16] =	ssyncadd.s32 $0xFFFFC000  }
0x75: {  	[tilespmem:s2], [sflag:$0x1] =	stream.linear.gather [hbm4b:s28+s2], $0x100, $0x38;
	[tilespmem:$0x1C200] =	vst v63  }
0x76: {  	_ =	swait.ge [sflag:s18], $0x100  }
0x77: {  	[sflag:s18] =	ssyncset.done $0x0  }
0x78: {  	[sflag:s18] =	ssyncadd.s32 $0xFFFFFF00  }
0x79: {  	[tilespmem:s20], [sflag:$0x3] =	stream.indirect.gather [hbm4b:s4+s19], $0x80, s2, s19, $0xb8;
	[tilespmem:$0x1C200] =	vst v63  }
0x7a: {  	_ =	swait.ge [sflag:s24], $0x4000  }
0x7b: {  	[sflag:s24] =	ssyncset.done $0x0  }
0x7c: {  	[sflag:s24] =	ssyncadd.s32 $0xFFFFC000  }
0x7d: {  	[spmem:s1] =	stream.indirect.scatter.add.f32 [tilespmem:s22], [sflag:$0x5], $0x80, s25, s19, $0xb8;
	[tilespmem:$0x1C200] =	vst v63  }
0x7e: {  	_ =	swait.ge [sflag:s16], $0x4000  }
0x7f: {  	[sflag:s16] =	ssyncset.done $0x0  }
0x80: {  	s29 =	sadd.s32 $0x13E0, s29;
	s28 =	simm.s32 $0xFFFFECC0;
	[sflag:s16] =	ssyncadd.s32 $0xFFFFC000  }
.LBB2_3:
0x81: {  	[tilespmem:s17], [sflag:$0x2] =	stream.linear.gather [hbm4b:s29+s2], $0x100, $0x38;
	[tilespmem:$0x1C200] =	vst v63  }
0x82: {  	s29 =	smov.u32 s28  }
0x83: {  	p1 =	seq.s32 s28, $0xFFFFFFC0;
	s28 =	sadd.s32 $0x40, s28;
	_ =	swait.ge [sflag:s21], $0x100  }
0x84: {  	[sflag:s21] =	ssyncset.done $0x0  }
0x85: {  	[sflag:s21] =	ssyncadd.s32 $0xFFFFFF00  }
0x86: {  	[tilespmem:s22], [sflag:$0x4] =	stream.indirect.gather [hbm4b:s4+s19], $0x80, s17, s19, $0xb8;
	[tilespmem:$0x1C200] =	vst v63  }
0x87: {  	_ =	swait.ge [sflag:s23], $0x4000  }
0x88: {  	[sflag:s23] =	ssyncset.done $0x0  }
0x89: {  	[sflag:s23] =	ssyncadd.s32 $0xFFFFC000  }
0x8a: {  	[spmem:s1] =	stream.indirect.scatter.add.f32 [tilespmem:s20], [sflag:$0x5], $0x80, s19, s19, $0xb8;
	[tilespmem:$0x1C200] =	vst v63  }
0x8b: {  	_ =	swait.ge [sflag:s16], $0x4000  }
0x8c: {  	s29 =	sadd.s32 s29, s14;
	[sflag:s16] =	ssyncset.done $0x0  }
0x8d: {  	s30 =	sadd.s32 $0x13C0, s29;
	[sflag:s16] =	ssyncadd.s32 $0xFFFFC000  }
0x8e: {  	[tilespmem:s2], [sflag:$0x1] =	stream.linear.gather [hbm4b:s30+s2], $0x100, $0x38;
	[tilespmem:$0x1C200] =	vst v63  }
0x8f: {  	_ =	swait.ge [sflag:s18], $0x100  }
0x90: {  	[sflag:s18] =	ssyncset.done $0x0  }
0x91: {  	[sflag:s18] =	ssyncadd.s32 $0xFFFFFF00  }
0x92: {  	[tilespmem:s20], [sflag:$0x3] =	stream.indirect.gather [hbm4b:s4+s19], $0x80, s2, s19, $0xb8;
	[tilespmem:$0x1C200] =	vst v63  }
0x93: {  	_ =	swait.ge [sflag:s24], $0x4000  }
0x94: {  	[sflag:s24] =	ssyncset.done $0x0  }
.Ltmp5:
0x95: {  	[sflag:s24] =	ssyncadd.s32 $0xFFFFC000;
	(pc) =	sbr.rel @!p1 .LBB2_3-.Ltmp5, $4  }
0x96: {  	[spmem:s1] =	stream.indirect.scatter.add.f32 [tilespmem:s22], [sflag:$0x5], $0x80, s25, s19, $0xb8;
	[tilespmem:$0x1C200] =	vst v63  }
0x97: {  	_ =	swait.ge [sflag:s16], $0x4000  }
0x98: {  	[sflag:s16] =	ssyncset.done $0x0  }
0x99: {  	s29 =	sadd.s32 $0x13E0, s29;
	[sflag:s16] =	ssyncadd.s32 $0xFFFFC000  }
.Ltmp6:
0x9a: {  	(pc) =	sbr.rel .LBB2_8-.Ltmp6, $3  }
0x9b: {  	_ =	sdelay $0x1  }
0x9c: {  	[tilespmem:s17], [sflag:$0x2] =	stream.linear.gather [hbm4b:s29+s2], $0x100, $0x38;
	[tilespmem:$0x1C200] =	vst v63  }
0x9d: {  	s29 =	smov.u32 s4;
	s28 =	smov.u32 s7  }
.LBB2_9:
0x9e: {  	_ =	sfence.sel $0x180000  }
0x9f: {  	[bflag:$0x0] =	sbarrier.arrive $0xFFFF  }
0xa0: {  	p0 =	sne.s32 s3, $0x0;
	_ =	strace $0x9000004A  }
0xa1: {  	s0 =	sadd.s32 @!p0 $0x100000, s0;
	[bflag:$0x2] =	sbarrier.arrive $0xFFFF  }
0xa2: {  	[sflag:s0] =	ssyncadd.tile.s32 @!p0 $0x1;
	_ =	shalt  }
.Lfunc_end2:
_tile_overlayer_lowered:
.L_overlay_start_2:
0xa3: {  	(tag) =	ssettag $0x2  }
0xa4: {  	s0 =	rddreg [dreg:$0x0];
	s2 =	stileid.u32  }
0xa5: {  	s1 =	rddreg [dreg:$0x1];
	p0 =	sne.s32 s2, $0x0  }
0xa6: {  	s3 =	rddreg [dreg:$0x2];
	[bflag:$0x3] =	sbarrier.arrive $0xFFFF;
	s2 =	simm.s32 @!p0 $0x1C05  }
0xa7: {  	[timem:s3], [sflag:s2] =	dma.local @!p0 [hbm:s0], s1  }
0xa8: {  	s0 =	simm.s32 @!p0 $0x5  }
0xa9: {  	_ =	swait.ge @!p0 [sflag:s0], s1  }
0xaa: {  	s1 =	ssub.s32 @!p0 $0x0, s1;
	[sflag:s0] =	ssyncset.done @!p0 $0x0  }
0xab: {  	[sflag:s0] =	ssyncadd.s32 @!p0 s1  }
0xac: {  	[bflag:$0x3] =	sbarrier.arrive $0xFFFF  }
0xad: {  	_ =	shalt  }

// kernel: kernel.14.cloned.1.call-start
scs
__scs_entry_jumppad:
0x0: {  	(pc) =	sbr.rel $0x88, $3  }
0x1: {  	(tag) =	ssettag $0x0;
	lr =	simm.s32 $0x1  }
0x2: {  	[smem:$0x3F9B] =	sst lr;
	_ =	strace $0xD0000000  }
0x3: {  	_ = 	snop  }
0x4: {  	_ = 	snop  }
0x5: {  	_ = 	snop  }
0x6: {  	_ = 	snop  }
0x7: {  	_ = 	snop  }
__scs_overlays_trampoline_lowered:
0x8: {  	[smem:$0x3FAA] =	sst s0  }
0x9: {  	[smem:$0x3FAB] =	sst s1  }
0xa: {  	[smem:$0x3FAC] =	sst s2  }
0xb: {  	[smem:$0x3FAD] =	sst s3  }
0xc: {  	[smem:$0x3FAE] =	sst s4  }
0xd: {  	[smem:$0x3FAF] =	sst s5  }
0xe: {  	[smem:$0x3FB0] =	sst s6  }
0xf: {  	[smem:$0x3FB1] =	sst s7  }
0x10: {  	[smem:$0x3FB2] =	sst s8  }
0x11: {  	[smem:$0x3FB3] =	sst s9;
	s0 =	simm.s32 @!p0 $0x0  }
0x12: {  	s1 =	sld [smem:$0x3F99];
	s0 =	simm.s32 @p0 $0x1  }
0x13: {  	[smem:$0x3FB4] =	sst s0;
	s0 =	simm.s32 @!p1 $0x0  }
0x14: {  	s2 =	sld [smem:$0x3F98];
	s0 =	simm.s32 @p1 $0x1  }
0x15: {  	[smem:$0x3FB5] =	sst s0;
	s0 =	simm.s32 @!p2 $0x0  }
0x16: {  	s3 =	sld [smem:$0x3FDB];
	s0 =	simm.s32 @p2 $0x1  }
0x17: {  	s4 =	simm.s32 $0x1BF5;
	[smem:$0x3FB7] =	sst s0  }
0x18: {  	s0 =	sld [smem:$0x3F9A];
	_ =	swait.ge [sflag:s4], $0x0  }
0x19: {  	s7 =	sld [smem:$0x3F9B]  }
0x1a: {  	s8 =	sadd.s32 $0xFFFFE003, lr  }
0x1b: {  	s9 =	sadd.s32 $0xFFFFFEF7, lr;
	s5 =	simm.s32 $0xFFFFFFFF;
	p2 =	slt.u32 s8, $0xFFFFF086  }
0x1c: {  	p1 =	slt.u32 s9, $0xF7A;
	s5 =	simm.s32 @!p2 $0x0  }
0x1d: {  	s5 =	simm.s32 @p1 $0x1;
	p0 =	seq.s32 s7, s2  }
0x1e: {  	s7 =	smul.u32 @!p0 $0xF7A, s2;
	p2 =	seq.s32 @!p0 s5, $0x0  }
0x1f: {  	s9 =	smul.u32 $0xF7A, s1;
	s8 =	simm.s32 @!p0 $0x1BF5;
	p2 =	por !p2, p0  }
0x20: {  	[sflag:s8] =	ssyncset.s32 @!p0 $0xFFFFF086;
	s6 =	sadd.s32 @!p0 s3, s7;
	s7 =	simm.s32 @!p0 $0x108  }
0x21: {  	s3 =	sadd.s32 s3, s9;
	s6 =	sadd.s32 @!p0 $0x88, s6;
	s7 =	simm.s32 @p2 $0x1082  }
0x22: {  	[simem:s7], [sflag:s8] =	dma.local @!p0 [hbm:s6], $0xF7A  }
0x23: {  	s9 =	sor.u32 $0xD0000000, s2;
	s6 =	simm.s32 $0x108;
	_ =	swait.ge @!p0 [sflag:s8], $0x0  }
0x24: {  	s3 =	sadd.s32 $0x88, s3;
	s6 =	simm.s32 @!p1 $0x1082;
	[sflag:s4] =	ssyncset.s32 $0xFFFFF086  }
0x25: {  	[simem:s6], [sflag:s4] =	dma.local [hbm:s3], $0xF7A  }
0x26: {  	[smem:$0x3F9B] =	sst s1;
	(tag) =	ssettag s2;
	_ =	strace s9  }
0x27: {  	s1 =	sld [smem:$0x3FAB]  }
0x28: {  	s2 =	sld [smem:$0x3FAC]  }
0x29: {  	s4 =	sld [smem:$0x3FAE]  }
0x2a: {  	p0 =	seq.s32 s5, $0x0;
	s5 =	sld [smem:$0x3FAF]  }
0x2b: {  	s6 =	sld [smem:$0x3FB0]  }
0x2c: {  	s7 =	sld [smem:$0x3FB1]  }
0x2d: {  	s3 =	simm.s32 $0x108;
	s8 =	sld [smem:$0x3FB2]  }
0x2e: {  	s3 =	simm.s32 @!p0 $0x1082;
	s9 =	sld [smem:$0x3FB3]  }
0x2f: {  	lr =	sadd.s32 s0, s3;
	s0 =	sld [smem:$0x3FAA]  }
0x30: {  	s3 =	sld [smem:$0x3FAD]  }
0x31: {  	[smem:$0x3FB6] =	sst s10  }
0x32: {  	s10 =	sld [smem:$0x3FB4];
	_ =	sdelay $0x3  }
0x33: {  	p0 =	seq.s32 s10, $0x1;
	s10 =	sld [smem:$0x3FB6];
	_ =	sdelay $0x3  }
0x34: {  	[smem:$0x3FB6] =	sst s10  }
0x35: {  	s10 =	sld [smem:$0x3FB5];
	_ =	sdelay $0x3  }
0x36: {  	p1 =	seq.s32 s10, $0x1;
	s10 =	sld [smem:$0x3FB6];
	_ =	sdelay $0x3  }
0x37: {  	[smem:$0x3FB6] =	sst s10  }
0x38: {  	s10 =	sld [smem:$0x3FB7]  }
0x39: {  	_ = 	snop;
	(pc) =	sbr.ind lr, $3  }
0x3a: {  	_ = 	snop  }
0x3b: {  	_ = 	snop  }
0x3c: {  	p2 =	seq.s32 s10, $0x1;
	s10 =	sld [smem:$0x3FB6]  }
0x3d: {  	_ =	shalt  }
0x3e: {  	_ =	shalt  }
0x3f: {  	_ =	shalt  }
0x40: {  	_ =	shalt  }
0x41: {  	_ =	shalt  }
0x42: {  	_ =	shalt  }
0x43: {  	_ =	shalt  }
0x44: {  	_ =	shalt  }
0x45: {  	_ =	shalt  }
0x46: {  	_ =	shalt  }
0x47: {  	_ =	shalt  }
0x48: {  	_ =	shalt  }
0x49: {  	_ =	shalt  }
0x4a: {  	_ =	shalt  }
0x4b: {  	_ =	shalt  }
0x4c: {  	_ =	shalt  }
0x4d: {  	_ =	shalt  }
0x4e: {  	_ =	shalt  }
0x4f: {  	_ =	shalt  }
0x50: {  	_ =	shalt  }
0x51: {  	_ =	shalt  }
0x52: {  	_ =	shalt  }
0x53: {  	_ =	shalt  }
0x54: {  	_ =	shalt  }
0x55: {  	_ =	shalt  }
0x56: {  	_ =	shalt  }
0x57: {  	_ =	shalt  }
0x58: {  	_ =	shalt  }
0x59: {  	_ =	shalt  }
0x5a: {  	_ =	shalt  }
0x5b: {  	_ =	shalt  }
0x5c: {  	_ =	shalt  }
0x5d: {  	_ =	shalt  }
0x5e: {  	_ =	shalt  }
0x5f: {  	_ =	shalt  }
0x60: {  	_ =	shalt  }
0x61: {  	_ =	shalt  }
0x62: {  	_ =	shalt  }
0x63: {  	_ =	shalt  }
0x64: {  	_ =	shalt  }
0x65: {  	_ =	shalt  }
0x66: {  	_ =	shalt  }
0x67: {  	_ =	shalt  }
0x68: {  	_ =	shalt  }
0x69: {  	_ =	shalt  }
0x6a: {  	_ =	shalt  }
0x6b: {  	_ =	shalt  }
0x6c: {  	_ =	shalt  }
0x6d: {  	_ =	shalt  }
0x6e: {  	_ =	shalt  }
0x6f: {  	_ =	shalt  }
0x70: {  	_ =	shalt  }
0x71: {  	_ =	shalt  }
0x72: {  	_ =	shalt  }
0x73: {  	_ =	shalt  }
0x74: {  	_ =	shalt  }
0x75: {  	_ =	shalt  }
0x76: {  	_ =	shalt  }
0x77: {  	_ =	shalt  }
0x78: {  	_ =	shalt  }
0x79: {  	_ =	shalt  }
0x7a: {  	_ =	shalt  }
0x7b: {  	_ =	shalt  }
0x7c: {  	_ =	shalt  }
0x7d: {  	_ =	shalt  }
0x7e: {  	_ =	shalt  }
0x7f: {  	_ =	shalt  }
0x80: {  	_ =	shalt  }
0x81: {  	_ =	shalt  }
0x82: {  	_ =	shalt  }
0x83: {  	_ =	shalt  }
0x84: {  	_ =	shalt  }
0x85: {  	_ =	shalt  }
0x86: {  	_ =	shalt  }
0x87: {  	_ =	shalt  }
.Lfunc_end0:
.L_simem_size_0:
called_computation.2_lowered:
.L_overlay_start_0:
0x88: {  	s2 =	sld [smem:$0x3FD9]  }
0x89: {  	s3 =	sld [smem:$0x3FFE];
	_ =	sdelay $0x1  }
0x8a: {  	s1 =	srdreg.scid  }
0x8b: {  	s0 =	sand.u32 $0x1, s1  }
0x8c: {  	s17 =	sshll.u32 s0, $0xA;
	s2 =	sadd.s32 s3, s2  }
0x8d: {  	s2 =	sadd.s32 s2, s17  }
0x8e: {  	[smem:$0x3FC2] =	sst s2  }
0x8f: {  	_ = 	snop  }
0x90: {  	s2 =	sld [smem:$0x3FD0];
	(tm) =	ssettm $0x1  }
0x91: {  	s18 =	sld [smem:$0x3FFB];
	_ =	sdelay $0x3  }
0x92: {  	_ =	strace s18  }
0x93: {  	s3 =	sld [smem:$0x3FFC];
	_ =	sdelay $0x3  }
0x94: {  	_ =	strace s3  }
0x95: {  	s3 =	sld [smem:$0x3FFD];
	_ =	sdelay $0x3  }
0x96: {  	_ =	strace s3  }
0x97: {  	_ =	strace $0x8FFFFFFF  }
0x98: {  	s19 =	sld [smem:$0x3FDB];
	_ =	sdelay $0x1  }
0x99: {  	s4 =	simm.s32 $_scs_section_size  }
0x9a: {  	s5 =	simm.s32 $_size__tile_overlayer_lowered;
	s6 =	simm.s32 $_tile_overlayer_lowered  }
0x9b: {  	s22 =	simm.s32 $0x1BFF;
	s21 =	sshll.u32 s6, $0x1;
	s3 =	sadd.s32 s4, s19  }
0x9c: {  	s7 =	simm.s32 $0x0;
	s20 =	sshll.u32 s5, $0x1;
	s5 =	sadd.s32 s21, s3  }
0x9d: {  	[timem:s7], [sflag:s22] =	dma.local [hbm:s5], s20  }
0x9e: {  	_ =	swait.ge [sflag:s22], s20  }
0x9f: {  	s4 =	ssub.s32 $0x0, s20;
	[sflag:s22] =	ssyncset.done $0x0  }
0xa0: {  	[sflag:s22] =	ssyncadd.s32 s4;
	_ =	sdelay $0x1  }
0xa1: {  	s23 =	simm.s32 $0x1B8B  }
0xa2: {  	_ =	swait.ge [sflag:s23], $0x1  }
0xa3: {  	[sflag:s23] =	ssyncset.done $0x0  }
0xa4: {  	s25 =	simm.s32 $0x1B8E;
	s24 =	sld [smem:$0x3FFE];
	[sflag:s23] =	ssyncadd.s32 $0xFFFFFFFF  }
0xa5: {  	s26 =	simm.s32 $execute0_lowered;
	[smem:$0x3FD2] =	sst s25  }
0xa6: {  	s5 =	sshll.u32 s26, $0x1;
	_ =	strace $0x8000004C;
	[dreg:$0x1] =	wrdreg $0xFFFFFFFF  }
0xa7: {  	s28 =	simm.s32 $_size_execute0_lowered;
	s3 =	sadd.s32 s3, s5;
	[dreg:$0x0] =	wrdreg $0x0  }
0xa8: {  	s5 =	sshll.u32 s28, $0x1;
	[dreg:$0x2] =	wrdreg s3  }
0xa9: {  	[dreg:$0x3] =	wrdreg s5  }
0xaa: {  	[dreg:$0x4] =	wrdreg $0xC0  }
0xab: {  	_ =	task [dreg:s7], $0x5FFFF  }
0xac: {  	[dreg:$0x1] =	wrdreg $0xFFFFFFFF  }
0xad: {  	[dreg:$0x0] =	wrdreg $0x60  }
0xae: {  	[dreg:$0x2] =	wrdreg s2  }
0xaf: {  	[dreg:$0x3] =	wrdreg s24  }
0xb0: {  	[dreg:$0x4] =	wrdreg $0x82000  }
0xb1: {  	[dreg:$0x5] =	wrdreg $0x9  }
0xb2: {  	_ =	task.clear_ibuf [dreg:s7], $0x6FFFF;
	_ =	strace $0x9000004C  }
0xb3: {  	s29 =	simm.s32 $0x9;
	_ =	strace $0x8000004E  }
0xb4: {  	_ =	swait.ge [sflag:s29], $0x1  }
0xb5: {  	[sflag:s29] =	ssyncadd.s32 $0xFFFFFFFF  }
0xb6: {  	_ =	strace $0x9000004E  }
0xb7: {  	_ =	sfence  }
0xb8: {  	s30 =	sld [smem:$0x0];
	_ =	sdelay $0x2  }
0xb9: {  	s31 =	sshll.u32 s1, $0xD;
	s1 =	sshrl.u32 s1, $0x2  }
0xba: {  	s3 =	sand.u32 $0x4000, s31;
	s1 =	sadd.s32 s1, s30  }
0xbb: {  	s0 =	sor.u32 s3, s0;
	s1 =	sshll.u32 s1, $0x11  }
0xbc: {  	s0 =	sor.u32 s1, s0  }
0xbd: {  	s0 =	sadd.s32 $0x8F2B, s0  }
0xbe: {  	[sflag:s0] =	ssyncadd.remote.s32 $0x1  }
0xbf: {  	_ =	sfence.sel $0xFFFF  }
0xc0: {  	[dreg:$0x0] =	wrdreg $0xFFFFFFFF;
	(pc) =	sbr.abs _section_cstart, $3  }
0xc1: {  	[dreg:$0x1] =	wrdreg $0xFFFFFFFF  }
0xc2: {  	_ =	task.clear_ibuf [dreg:s7], $0x2FFFF;
	_ =	strace $0x9FFFFFFF  }
0xc3: {  	(tm) =	ssettm $0x7FFFFFFF  }
tec
execute0_lowered:
.L_overlay_start_1:
0x0: {  	(tag) =	ssettag $0x1  }
0x1: {  	s12 =	rddreg [dreg:$0x0]  }
0x2: {  	s10 =	rddreg [dreg:$0x1]  }
0x3: {  	s1 =	rddreg [dreg:$0x2]  }
0x4: {  	s0 =	rddreg [dreg:$0x3];
	s3 =	simm.s32 $0x0;
	s4 =	srdreg.scid  }
0x5: {  	s2 =	stileid.u32;
	s17 =	simm.s32 $0x80;
	s18 =	simm.s32 $0x200  }
0x6: {  	s19 =	simm.s32 $0x2;
	s20 =	simm.s32 $0x4200;
	s21 =	simm.s32 $0x3  }
0x7: {  	s22 =	simm.s32 $0x4;
	s23 =	simm.s32 $0x180;
	s24 =	simm.s32 $0x0  }
0x8: {  	[smem:$0x7FF] =	sst s3;
	s9 =	sand.u32 $0x1, s4;
	s5 =	smul.u32 $0x50000, s2  }
0x9: {  	s6 =	sshll.u32 s2, $0x1;
	s4 =	sadd.s32 $0x3600, s10;
	s29 =	smul.u32 $0xA000, s2  }
0xa: {  	s26 =	sshll.u32 s2, $0x6;
	s16 =	smul.u32 $0x2800, s2;
	_ =	strace $0x8000004D  }
0xb: {  	s7 =	ssub.s32 $0x2, s9;
	s6 =	sor.u32 s9, s6;
	s15 =	smul.u32 $0x5000, s9  }
0xc: {  	p0 =	seq.s32 s9, $0x1;
	s8 =	sshrl.u32 s7, $0x1;
	s6 =	smul.u32 $0x5000, s6  }
0xd: {  	s11 =	sshrl.u32 s5, $0x2;
	s5 =	sadd.s32 $0x71000, s10;
	s13 =	ssub.s32 s7, s8  }
0xe: {  	s14 =	sadd.s32 s11, s1;
	s11 =	sadd.s32 s15, s29;
	s28 =	sshrl.u32 s6, $0x3  }
0xf: {  	s6 =	sor.u32 $0x1C05, s26;
	s9 =	smax.u32 s13, $0x1;
	s13 =	simm.s32 $0x99000  }
0x10: {  	s15 =	sor.u32 $0x300, s11;
	s11 =	sor.u32 $0x200, s11;
	s7 =	sadd.s32 s12, s28  }
0x11: {  	s13 =	simm.s32 @!p0 $0x2B600;
	s30 =	sshrl.u32 s15, $0x3;
	s31 =	sshrl.u32 s11, $0x3  }
0x12: {  	s15 =	simm.s32 $0x100;
	s8 =	sadd.s32 $0x20, s7;
	s10 =	sadd.s32 s13, s10  }
0x13: {  	s11 =	sadd.s32 s30, s12;
	s12 =	sadd.s32 s31, s12;
	s13 =	sshrl.u32 s14, $0x3  }
0x14: {  	s14 =	simm.s32 $0x5;
	s10 =	sadd.s32 s10, s16;
	s16 =	simm.s32 $0x1  }
.LBB2_1:
0x15: {  	[spmem:s13], [sflag:s6] =	dma.local [hbm:s5], $0x2800  }
0x16: {  	_ =	swait.ge [sflag:s14], $0x2800  }
0x17: {  	[sflag:s14] =	ssyncset.done $0x0  }
0x18: {  	[sflag:s14] =	ssyncadd.s32 $0xFFFFD800  }
0x19: {  	[bflag:$0x0] =	sbarrier.arrive $0xFFFF  }
0x1a: {  	[tilespmem:s3], [sflag:$0x1] =	stream.linear.gather [hbm4b:s7+s3], $0x100, $0x38;
	[tilespmem:$0x1C200] =	vst v63  }
0x1b: {  	_ = 	snop  }
0x1c: {  	[tilespmem:s15], [sflag:$0x2] =	stream.linear.gather [hbm4b:s8+s3], $0x100, $0x38;
	[tilespmem:$0x1C200] =	vst v63  }
0x1d: {  	_ =	swait.ge [sflag:s16], $0x100  }
0x1e: {  	[sflag:s16] =	ssyncset.done $0x0  }
0x1f: {  	[sflag:s16] =	ssyncadd.s32 $0xFFFFFF00  }
0x20: {  	[tilespmem:s18], [sflag:$0x3] =	stream.indirect.gather [hbm4b:s4+s17], $0x80, s3, s17, $0xb8;
	[tilespmem:$0x1C200] =	vst v63  }
0x21: {  	_ =	swait.ge [sflag:s19], $0x100  }
0x22: {  	[sflag:s19] =	ssyncset.done $0x0  }
0x23: {  	[sflag:s19] =	ssyncadd.s32 $0xFFFFFF00  }
0x24: {  	[tilespmem:s20], [sflag:$0x4] =	stream.indirect.gather [hbm4b:s4+s17], $0x80, s15, s17, $0xb8;
	[tilespmem:$0x1C200] =	vst v63  }
0x25: {  	_ =	swait.ge [sflag:s21], $0x4000  }
0x26: {  	[sflag:s21] =	ssyncset.done $0x0  }
0x27: {  	[sflag:s21] =	ssyncadd.s32 $0xFFFFC000  }
0x28: {  	[spmem:s1] =	stream.indirect.scatter.add.f32 [tilespmem:s18], [sflag:$0x5], $0x80, s17, s17, $0xb8;
	[tilespmem:$0x1C200] =	vst v63  }
0x29: {  	_ =	swait.ge [sflag:s14], $0x4000  }
0x2a: {  	[sflag:s14] =	ssyncset.done $0x0  }
0x2b: {  	s25 =	sadd.s32 $0x0, s12;
	[sflag:s14] =	ssyncadd.s32 $0xFFFFC000  }
0x2c: {  	[tilespmem:s3], [sflag:$0x1] =	stream.linear.gather [hbm4b:s25+s3], $0x100, $0x38;
	[tilespmem:$0x1C200] =	vst v63  }
0x2d: {  	_ =	swait.ge [sflag:s16], $0x100  }
0x2e: {  	[sflag:s16] =	ssyncset.done $0x0  }
0x2f: {  	[sflag:s16] =	ssyncadd.s32 $0xFFFFFF00  }
0x30: {  	[tilespmem:s18], [sflag:$0x3] =	stream.indirect.gather [hbm4b:s4+s17], $0x80, s3, s17, $0xb8;
	[tilespmem:$0x1C200] =	vst v63  }
0x31: {  	_ =	swait.ge [sflag:s22], $0x4000  }
0x32: {  	[sflag:s22] =	ssyncset.done $0x0  }
0x33: {  	[sflag:s22] =	ssyncadd.s32 $0xFFFFC000  }
0x34: {  	[spmem:s1] =	stream.indirect.scatter.add.f32 [tilespmem:s20], [sflag:$0x5], $0x80, s23, s17, $0xb8;
	[tilespmem:$0x1C200] =	vst v63  }
0x35: {  	_ =	swait.ge [sflag:s14], $0x4000  }
0x36: {  	[sflag:s14] =	ssyncset.done $0x0  }
0x37: {  	s26 =	sadd.s32 $0x0, s11;
	s25 =	simm.s32 $0x40;
	[sflag:s14] =	ssyncadd.s32 $0xFFFFC000  }
.LBB2_2:
0x38: {  	[tilespmem:s15], [sflag:$0x2] =	stream.linear.gather [hbm4b:s26+s3], $0x100, $0x38;
	[tilespmem:$0x1C200] =	vst v63  }
0x39: {  	s26 =	smov.u32 s25  }
0x3a: {  	p0 =	sne.s32 s25, $0x980;
	s25 =	sadd.s32 $0x40, s25;
	_ =	swait.ge [sflag:s19], $0x100  }
0x3b: {  	[sflag:s19] =	ssyncset.done $0x0  }
0x3c: {  	[sflag:s19] =	ssyncadd.s32 $0xFFFFFF00  }
0x3d: {  	[tilespmem:s20], [sflag:$0x4] =	stream.indirect.gather [hbm4b:s4+s17], $0x80, s15, s17, $0xb8;
	[tilespmem:$0x1C200] =	vst v63  }
0x3e: {  	_ =	swait.ge [sflag:s21], $0x4000  }
0x3f: {  	[sflag:s21] =	ssyncset.done $0x0  }
0x40: {  	[sflag:s21] =	ssyncadd.s32 $0xFFFFC000  }
0x41: {  	[spmem:s1] =	stream.indirect.scatter.add.f32 [tilespmem:s18], [sflag:$0x5], $0x80, s17, s17, $0xb8;
	[tilespmem:$0x1C200] =	vst v63  }
0x42: {  	_ =	swait.ge [sflag:s14], $0x4000  }
0x43: {  	[sflag:s14] =	ssyncset.done $0x0  }
0x44: {  	s28 =	sadd.s32 s26, s12;
	[sflag:s14] =	ssyncadd.s32 $0xFFFFC000  }
0x45: {  	[tilespmem:s3], [sflag:$0x1] =	stream.linear.gather [hbm4b:s28+s3], $0x100, $0x38;
	[tilespmem:$0x1C200] =	vst v63  }
0x46: {  	_ =	swait.ge [sflag:s16], $0x100  }
0x47: {  	[sflag:s16] =	ssyncset.done $0x0  }
0x48: {  	[sflag:s16] =	ssyncadd.s32 $0xFFFFFF00  }
0x49: {  	[tilespmem:s18], [sflag:$0x3] =	stream.indirect.gather [hbm4b:s4+s17], $0x80, s3, s17, $0xb8;
	[tilespmem:$0x1C200] =	vst v63  }
0x4a: {  	_ =	swait.ge [sflag:s22], $0x4000  }
0x4b: {  	[sflag:s22] =	ssyncset.done $0x0  }
.Ltmp0:
0x4c: {  	[sflag:s22] =	ssyncadd.s32 $0xFFFFC000;
	(pc) =	sbr.rel @p0 .LBB2_2-.Ltmp0, $4  }
0x4d: {  	[spmem:s1] =	stream.indirect.scatter.add.f32 [tilespmem:s20], [sflag:$0x5], $0x80, s23, s17, $0xb8;
	[tilespmem:$0x1C200] =	vst v63  }
0x4e: {  	_ =	swait.ge [sflag:s14], $0x4000  }
0x4f: {  	[sflag:s14] =	ssyncset.done $0x0  }
0x50: {  	s26 =	sadd.s32 s26, s11;
	[sflag:s14] =	ssyncadd.s32 $0xFFFFC000  }
0x51: {  	[tilespmem:s15], [sflag:$0x2] =	stream.linear.gather [hbm4b:s26+s3], $0x100, $0x38;
	[tilespmem:$0x1C200] =	vst v63  }
0x52: {  	_ =	swait.ge [sflag:s19], $0x100  }
0x53: {  	[sflag:s19] =	ssyncset.done $0x0  }
0x54: {  	[sflag:s19] =	ssyncadd.s32 $0xFFFFFF00  }
0x55: {  	[tilespmem:s20], [sflag:$0x4] =	stream.indirect.gather [hbm4b:s4+s17], $0x80, s15, s17, $0xb8;
	[tilespmem:$0x1C200] =	vst v63  }
0x56: {  	_ =	swait.ge [sflag:s21], $0x4000  }
0x57: {  	[sflag:s21] =	ssyncset.done $0x0  }
0x58: {  	[sflag:s21] =	ssyncadd.s32 $0xFFFFC000  }
0x59: {  	[spmem:s1] =	stream.indirect.scatter.add.f32 [tilespmem:s18], [sflag:$0x5], $0x80, s17, s17, $0xb8;
	[tilespmem:$0x1C200] =	vst v63  }
0x5a: {  	_ =	swait.ge [sflag:s14], $0x4000  }
0x5b: {  	[sflag:s14] =	ssyncset.done $0x0  }
0x5c: {  	[sflag:s14] =	ssyncadd.s32 $0xFFFFC000  }
0x5d: {  	_ =	swait.ge [sflag:s22], $0x4000  }
0x5e: {  	[sflag:s22] =	ssyncset.done $0x0  }
0x5f: {  	[sflag:s22] =	ssyncadd.s32 $0xFFFFC000  }
0x60: {  	[spmem:s1] =	stream.indirect.scatter.add.f32 [tilespmem:s20], [sflag:$0x5], $0x80, s23, s17, $0xb8;
	[tilespmem:$0x1C200] =	vst v63  }
0x61: {  	_ =	swait.ge [sflag:s14], $0x4000  }
0x62: {  	s24 =	sadd.s32 $0x1, s24;
	[sflag:s14] =	ssyncset.done $0x0  }
0x63: {  	p0 =	sne.s32 s24, s9;
	[sflag:s14] =	ssyncadd.s32 $0xFFFFC000  }
.Ltmp1:
0x64: {  	[bflag:$0x0] =	sbarrier.arrive $0xFFFF;
	(pc) =	sbr.rel @p0 .LBB2_1-.Ltmp1, $4  }
0x65: {  	[hbm:s10], [sflag:s6] =	dma.local [spmem:s13], $0x2800  }
0x66: {  	_ =	swait.ge [sflag:s14], $0x2800  }
0x67: {  	[sflag:s14] =	ssyncset.done $0x0  }
0x68: {  	[sflag:s14] =	ssyncadd.s32 $0xFFFFD800  }
0x69: {  	_ =	sfence.sel $0x180000  }
0x6a: {  	[bflag:$0x0] =	sbarrier.arrive $0xFFFF  }
0x6b: {  	p0 =	sne.s32 s2, $0x0;
	_ =	strace $0x9000004D  }
0x6c: {  	s0 =	sadd.s32 @!p0 $0x100000, s0;
	[bflag:$0x2] =	sbarrier.arrive $0xFFFF  }
0x6d: {  	[sflag:s0] =	ssyncadd.tile.s32 @!p0 $0x1;
	_ =	shalt  }
.Lfunc_end2:
_tile_overlayer_lowered:
.L_overlay_start_2:
0x6e: {  	(tag) =	ssettag $0x2  }
0x6f: {  	s0 =	rddreg [dreg:$0x0];
	s2 =	stileid.u32  }
0x70: {  	s1 =	rddreg [dreg:$0x1];
	p0 =	sne.s32 s2, $0x0  }
0x71: {  	s3 =	rddreg [dreg:$0x2];
	[bflag:$0x3] =	sbarrier.arrive $0xFFFF;
	s2 =	simm.s32 @!p0 $0x1C05  }
0x72: {  	[timem:s3], [sflag:s2] =	dma.local @!p0 [hbm:s0], s1  }
0x73: {  	s0 =	simm.s32 @!p0 $0x5  }
0x74: {  	_ =	swait.ge @!p0 [sflag:s0], s1  }
0x75: {  	s1 =	ssub.s32 @!p0 $0x0, s1;
	[sflag:s0] =	ssyncset.done @!p0 $0x0  }
0x76: {  	[sflag:s0] =	ssyncadd.s32 @!p0 s1  }
0x77: {  	[bflag:$0x3] =	sbarrier.arrive $0xFFFF  }
0x78: {  	_ =	shalt  }

// kernel: kernel.8.cloned.1.call-start
scs
__scs_entry_jumppad:
0x0: {  	(pc) =	sbr.rel $0x88, $3  }
0x1: {  	(tag) =	ssettag $0x0;
	lr =	simm.s32 $0x1  }
0x2: {  	[smem:$0x3F9B] =	sst lr;
	_ =	strace $0xD0000000  }
0x3: {  	_ = 	snop  }
0x4: {  	_ = 	snop  }
0x5: {  	_ = 	snop  }
0x6: {  	_ = 	snop  }
0x7: {  	_ = 	snop  }
__scs_overlays_trampoline_lowered:
0x8: {  	[smem:$0x3FAA] =	sst s0  }
0x9: {  	[smem:$0x3FAB] =	sst s1  }
0xa: {  	[smem:$0x3FAC] =	sst s2  }
0xb: {  	[smem:$0x3FAD] =	sst s3  }
0xc: {  	[smem:$0x3FAE] =	sst s4  }
0xd: {  	[smem:$0x3FAF] =	sst s5  }
0xe: {  	[smem:$0x3FB0] =	sst s6  }
0xf: {  	[smem:$0x3FB1] =	sst s7  }
0x10: {  	[smem:$0x3FB2] =	sst s8  }
0x11: {  	[smem:$0x3FB3] =	sst s9;
	s0 =	simm.s32 @!p0 $0x0  }
0x12: {  	s1 =	sld [smem:$0x3F99];
	s0 =	simm.s32 @p0 $0x1  }
0x13: {  	[smem:$0x3FB4] =	sst s0;
	s0 =	simm.s32 @!p1 $0x0  }
0x14: {  	s2 =	sld [smem:$0x3F98];
	s0 =	simm.s32 @p1 $0x1  }
0x15: {  	[smem:$0x3FB5] =	sst s0;
	s0 =	simm.s32 @!p2 $0x0  }
0x16: {  	s3 =	sld [smem:$0x3FDB];
	s0 =	simm.s32 @p2 $0x1  }
0x17: {  	s4 =	simm.s32 $0x1BF5;
	[smem:$0x3FB7] =	sst s0  }
0x18: {  	s0 =	sld [smem:$0x3F9A];
	_ =	swait.ge [sflag:s4], $0x0  }
0x19: {  	s7 =	sld [smem:$0x3F9B]  }
0x1a: {  	s8 =	sadd.s32 $0xFFFFE003, lr  }
0x1b: {  	s9 =	sadd.s32 $0xFFFFFEF7, lr;
	s5 =	simm.s32 $0xFFFFFFFF;
	p2 =	slt.u32 s8, $0xFFFFF086  }
0x1c: {  	p1 =	slt.u32 s9, $0xF7A;
	s5 =	simm.s32 @!p2 $0x0  }
0x1d: {  	s5 =	simm.s32 @p1 $0x1;
	p0 =	seq.s32 s7, s2  }
0x1e: {  	s7 =	smul.u32 @!p0 $0xF7A, s2;
	p2 =	seq.s32 @!p0 s5, $0x0  }
0x1f: {  	s9 =	smul.u32 $0xF7A, s1;
	s8 =	simm.s32 @!p0 $0x1BF5;
	p2 =	por !p2, p0  }
0x20: {  	[sflag:s8] =	ssyncset.s32 @!p0 $0xFFFFF086;
	s6 =	sadd.s32 @!p0 s3, s7;
	s7 =	simm.s32 @!p0 $0x108  }
0x21: {  	s3 =	sadd.s32 s3, s9;
	s6 =	sadd.s32 @!p0 $0x88, s6;
	s7 =	simm.s32 @p2 $0x1082  }
0x22: {  	[simem:s7], [sflag:s8] =	dma.local @!p0 [hbm:s6], $0xF7A  }
0x23: {  	s9 =	sor.u32 $0xD0000000, s2;
	s6 =	simm.s32 $0x108;
	_ =	swait.ge @!p0 [sflag:s8], $0x0  }
0x24: {  	s3 =	sadd.s32 $0x88, s3;
	s6 =	simm.s32 @!p1 $0x1082;
	[sflag:s4] =	ssyncset.s32 $0xFFFFF086  }
0x25: {  	[simem:s6], [sflag:s4] =	dma.local [hbm:s3], $0xF7A  }
0x26: {  	[smem:$0x3F9B] =	sst s1;
	(tag) =	ssettag s2;
	_ =	strace s9  }
0x27: {  	s1 =	sld [smem:$0x3FAB]  }
0x28: {  	s2 =	sld [smem:$0x3FAC]  }
0x29: {  	s4 =	sld [smem:$0x3FAE]  }
0x2a: {  	p0 =	seq.s32 s5, $0x0;
	s5 =	sld [smem:$0x3FAF]  }
0x2b: {  	s6 =	sld [smem:$0x3FB0]  }
0x2c: {  	s7 =	sld [smem:$0x3FB1]  }
0x2d: {  	s3 =	simm.s32 $0x108;
	s8 =	sld [smem:$0x3FB2]  }
0x2e: {  	s3 =	simm.s32 @!p0 $0x1082;
	s9 =	sld [smem:$0x3FB3]  }
0x2f: {  	lr =	sadd.s32 s0, s3;
	s0 =	sld [smem:$0x3FAA]  }
0x30: {  	s3 =	sld [smem:$0x3FAD]  }
0x31: {  	[smem:$0x3FB6] =	sst s10  }
0x32: {  	s10 =	sld [smem:$0x3FB4];
	_ =	sdelay $0x3  }
0x33: {  	p0 =	seq.s32 s10, $0x1;
	s10 =	sld [smem:$0x3FB6];
	_ =	sdelay $0x3  }
0x34: {  	[smem:$0x3FB6] =	sst s10  }
0x35: {  	s10 =	sld [smem:$0x3FB5];
	_ =	sdelay $0x3  }
0x36: {  	p1 =	seq.s32 s10, $0x1;
	s10 =	sld [smem:$0x3FB6];
	_ =	sdelay $0x3  }
0x37: {  	[smem:$0x3FB6] =	sst s10  }
0x38: {  	s10 =	sld [smem:$0x3FB7]  }
0x39: {  	_ = 	snop;
	(pc) =	sbr.ind lr, $3  }
0x3a: {  	_ = 	snop  }
0x3b: {  	_ = 	snop  }
0x3c: {  	p2 =	seq.s32 s10, $0x1;
	s10 =	sld [smem:$0x3FB6]  }
0x3d: {  	_ =	shalt  }
0x3e: {  	_ =	shalt  }
0x3f: {  	_ =	shalt  }
0x40: {  	_ =	shalt  }
0x41: {  	_ =	shalt  }
0x42: {  	_ =	shalt  }
0x43: {  	_ =	shalt  }
0x44: {  	_ =	shalt  }
0x45: {  	_ =	shalt  }
0x46: {  	_ =	shalt  }
0x47: {  	_ =	shalt  }
0x48: {  	_ =	shalt  }
0x49: {  	_ =	shalt  }
0x4a: {  	_ =	shalt  }
0x4b: {  	_ =	shalt  }
0x4c: {  	_ =	shalt  }
0x4d: {  	_ =	shalt  }
0x4e: {  	_ =	shalt  }
0x4f: {  	_ =	shalt  }
0x50: {  	_ =	shalt  }
0x51: {  	_ =	shalt  }
0x52: {  	_ =	shalt  }
0x53: {  	_ =	shalt  }
0x54: {  	_ =	shalt  }
0x55: {  	_ =	shalt  }
0x56: {  	_ =	shalt  }
0x57: {  	_ =	shalt  }
0x58: {  	_ =	shalt  }
0x59: {  	_ =	shalt  }
0x5a: {  	_ =	shalt  }
0x5b: {  	_ =	shalt  }
0x5c: {  	_ =	shalt  }
0x5d: {  	_ =	shalt  }
0x5e: {  	_ =	shalt  }
0x5f: {  	_ =	shalt  }
0x60: {  	_ =	shalt  }
0x61: {  	_ =	shalt  }
0x62: {  	_ =	shalt  }
0x63: {  	_ =	shalt  }
0x64: {  	_ =	shalt  }
0x65: {  	_ =	shalt  }
0x66: {  	_ =	shalt  }
0x67: {  	_ =	shalt  }
0x68: {  	_ =	shalt  }
0x69: {  	_ =	shalt  }
0x6a: {  	_ =	shalt  }
0x6b: {  	_ =	shalt  }
0x6c: {  	_ =	shalt  }
0x6d: {  	_ =	shalt  }
0x6e: {  	_ =	shalt  }
0x6f: {  	_ =	shalt  }
0x70: {  	_ =	shalt  }
0x71: {  	_ =	shalt  }
0x72: {  	_ =	shalt  }
0x73: {  	_ =	shalt  }
0x74: {  	_ =	shalt  }
0x75: {  	_ =	shalt  }
0x76: {  	_ =	shalt  }
0x77: {  	_ =	shalt  }
0x78: {  	_ =	shalt  }
0x79: {  	_ =	shalt  }
0x7a: {  	_ =	shalt  }
0x7b: {  	_ =	shalt  }
0x7c: {  	_ =	shalt  }
0x7d: {  	_ =	shalt  }
0x7e: {  	_ =	shalt  }
0x7f: {  	_ =	shalt  }
0x80: {  	_ =	shalt  }
0x81: {  	_ =	shalt  }
0x82: {  	_ =	shalt  }
0x83: {  	_ =	shalt  }
0x84: {  	_ =	shalt  }
0x85: {  	_ =	shalt  }
0x86: {  	_ =	shalt  }
0x87: {  	_ =	shalt  }
.Lfunc_end0:
.L_simem_size_0:
called_computation_lowered:
.L_overlay_start_0:
0x88: {  	s2 =	sld [smem:$0x3FD9]  }
0x89: {  	s3 =	sld [smem:$0x3FFE];
	_ =	sdelay $0x1  }
0x8a: {  	s1 =	srdreg.scid  }
0x8b: {  	s0 =	sand.u32 $0x1, s1  }
0x8c: {  	s17 =	sshll.u32 s0, $0xA;
	s2 =	sadd.s32 s3, s2  }
0x8d: {  	s2 =	sadd.s32 s2, s17  }
0x8e: {  	[smem:$0x3FC2] =	sst s2  }
0x8f: {  	_ = 	snop  }
0x90: {  	s2 =	sld [smem:$0x3FD0];
	(tm) =	ssettm $0x1  }
0x91: {  	s18 =	sld [smem:$0x3FFB];
	_ =	sdelay $0x3  }
0x92: {  	_ =	strace s18  }
0x93: {  	s3 =	sld [smem:$0x3FFC];
	_ =	sdelay $0x3  }
0x94: {  	_ =	strace s3  }
0x95: {  	s3 =	sld [smem:$0x3FFD];
	_ =	sdelay $0x3  }
0x96: {  	_ =	strace s3  }
0x97: {  	_ =	strace $0x8FFFFFFF  }
0x98: {  	s19 =	sld [smem:$0x3FDB];
	_ =	sdelay $0x1  }
0x99: {  	s4 =	simm.s32 $_scs_section_size  }
0x9a: {  	s5 =	simm.s32 $_size__tile_overlayer_lowered;
	s6 =	simm.s32 $_tile_overlayer_lowered  }
0x9b: {  	s22 =	simm.s32 $0x1BFF;
	s21 =	sshll.u32 s6, $0x1;
	s3 =	sadd.s32 s4, s19  }
0x9c: {  	s7 =	simm.s32 $0x0;
	s20 =	sshll.u32 s5, $0x1;
	s5 =	sadd.s32 s21, s3  }
0x9d: {  	[timem:s7], [sflag:s22] =	dma.local [hbm:s5], s20  }
0x9e: {  	_ =	swait.ge [sflag:s22], s20  }
0x9f: {  	s4 =	ssub.s32 $0x0, s20;
	[sflag:s22] =	ssyncset.done $0x0  }
0xa0: {  	[sflag:s22] =	ssyncadd.s32 s4;
	_ =	sdelay $0x1  }
0xa1: {  	s23 =	simm.s32 $0x1B8B  }
0xa2: {  	_ =	swait.ge [sflag:s23], $0x1  }
0xa3: {  	[sflag:s23] =	ssyncset.done $0x0  }
0xa4: {  	s25 =	simm.s32 $0x1B8E;
	s24 =	sld [smem:$0x3FFE];
	[sflag:s23] =	ssyncadd.s32 $0xFFFFFFFF  }
0xa5: {  	s26 =	simm.s32 $execute0_lowered;
	[smem:$0x3FD2] =	sst s25  }
0xa6: {  	s5 =	sshll.u32 s26, $0x1;
	_ =	strace $0x80000046;
	[dreg:$0x1] =	wrdreg $0xFFFFFFFF  }
0xa7: {  	s28 =	simm.s32 $_size_execute0_lowered;
	s3 =	sadd.s32 s3, s5;
	[dreg:$0x0] =	wrdreg $0x0  }
0xa8: {  	s5 =	sshll.u32 s28, $0x1;
	[dreg:$0x2] =	wrdreg s3  }
0xa9: {  	[dreg:$0x3] =	wrdreg s5  }
0xaa: {  	[dreg:$0x4] =	wrdreg $0xC0  }
0xab: {  	_ =	task [dreg:s7], $0x5FFFF  }
0xac: {  	[dreg:$0x1] =	wrdreg $0xFFFFFFFF  }
0xad: {  	[dreg:$0x0] =	wrdreg $0x60  }
0xae: {  	[dreg:$0x2] =	wrdreg s24  }
0xaf: {  	[dreg:$0x3] =	wrdreg s2  }
0xb0: {  	[dreg:$0x4] =	wrdreg $0x9  }
0xb1: {  	_ =	task.clear_ibuf [dreg:s7], $0x5FFFF;
	_ =	strace $0x90000046  }
0xb2: {  	s29 =	simm.s32 $0x9;
	_ =	strace $0x80000048  }
0xb3: {  	_ =	swait.ge [sflag:s29], $0x1  }
0xb4: {  	[sflag:s29] =	ssyncadd.s32 $0xFFFFFFFF  }
0xb5: {  	_ =	strace $0x90000048  }
0xb6: {  	_ =	sfence  }
0xb7: {  	s30 =	sld [smem:$0x0];
	_ =	sdelay $0x2  }
0xb8: {  	s31 =	sshll.u32 s1, $0xD;
	s1 =	sshrl.u32 s1, $0x2  }
0xb9: {  	s3 =	sand.u32 $0x4000, s31;
	s1 =	sadd.s32 s1, s30  }
0xba: {  	s0 =	sor.u32 s3, s0;
	s1 =	sshll.u32 s1, $0x11  }
0xbb: {  	s0 =	sor.u32 s1, s0  }
0xbc: {  	s0 =	sadd.s32 $0x8F2B, s0  }
0xbd: {  	[sflag:s0] =	ssyncadd.remote.s32 $0x1  }
0xbe: {  	_ =	sfence.sel $0xFFFF  }
0xbf: {  	[dreg:$0x0] =	wrdreg $0xFFFFFFFF;
	(pc) =	sbr.abs _section_cstart, $3  }
0xc0: {  	[dreg:$0x1] =	wrdreg $0xFFFFFFFF  }
0xc1: {  	_ =	task.clear_ibuf [dreg:s7], $0x2FFFF;
	_ =	strace $0x9FFFFFFF  }
0xc2: {  	(tm) =	ssettm $0x7FFFFFFF  }
0xc3: {  	_ =	shalt  }
tec
execute0_lowered:
.L_overlay_start_1:
0x0: {  	(tag) =	ssettag $0x1  }
0x1: {  	s3 =	rddreg [dreg:$0x0]  }
0x2: {  	s4 =	rddreg [dreg:$0x1]  }
0x3: {  	s0 =	rddreg [dreg:$0x2];
	s2 =	simm.s32 $0x0;
	s5 =	srdreg.scid  }
0x4: {  	s1 =	stileid.u32;
	s10 =	simm.s32 $0x0;
	s5 =	sand.u32 $0x1, s5  }
0x5: {  	s6 =	sshrl.u32 s1, $0x2;
	s7 =	sshll.u32 s1, $0x8;
	[smem:$0x7FF] =	sst s2  }
0x6: {  	s8 =	sshll.u32 s5, $0x7;
	s7 =	sand.u32 $0x300, s7;
	s9 =	smul.u32 $0x13C00, s6  }
0x7: {  	s6 =	smul.u32 $0x14000, s6;
	s5 =	ssub.s32 $0x2, s5;
	s7 =	sor.u32 s8, s7  }
0x8: {  	_ =	strace $0x80000047;
	s31 =	sshrl.u32 s5, $0x1;
	s8 =	sor.u32 s9, s7  }
0x9: {  	s6 =	sor.u32 s6, s7;
	s5 =	ssub.s32 s5, s31;
	s7 =	simm.s32 $0x400  }
0xa: {  	s9 =	simm.s32 $0x2780;
	s8 =	sshrl.u32 s8, $0x3;
	s6 =	sshrl.u32 s6, $0x3  }
0xb: {  	s5 =	smax.u32 s5, $0x1;
	s3 =	sadd.s32 s8, s3;
	s4 =	sadd.s32 s4, s6  }
0xc: {  	v0 =	vimm.f32 $0.0e+00;
	v1 =	vimm.f32 $1.000000000e+00;
	s6 =	simm.s32 $0x80;
	s8 =	simm.s32 $0x1;
	s3 =	sadd.s32 $0x3600, s3  }
.LBB2_1:
0xd: {  	[tilespmem:s2], [sflag:$0x1] =	stream.strided.gather [hbm4b:s3+s6], $0x2780, s7, s6, $0x38;
	[tilespmem:$0x4F80] =	vst v63  }
0xe: {  	_ =	swait.ge [sflag:s8], $0x2780  }
0xf: {  	[sflag:s8] =	ssyncset.done $0x0  }
0x10: {  	s11 =	simm.s32 $0x0;
	[sflag:s8] =	ssyncadd.s32 $0xFFFFD880  }
.LBB2_2:
0x11: {  	p0 =	sne.s32 s11, $0x9FC0  }
.Ltmp0:
0x12: {  	_ = 	snop;
	(pc) =	sbr.rel @p0 .LBB2_2-.Ltmp0, $3  }
0x13: {  	_ =	sdelay $0x1  }
0x14: {  	s12 =	sshra.s32 s11, $0x2  }
0x15: {  	s11 =	sadd.s32 $0x40, s11;
	[tilespmem:s12+$0x2780] =	vst v0  }
0x16: {  	s12 =	simm.s32 $0x0;
	s11 =	simm.s32 $0x40  }
.LBB2_4:
0x17: {  	p0 =	sne.s32 s11, $0x9C00;
	v2 =	vld [tilespmem:s12+$0x0];
	_ =	sdelay $0x3  }
.Ltmp1:
0x18: {  	(pc) =	sbr.rel @p0 .LBB2_4-.Ltmp1, $2  }
0x19: {  	_ =	sdelay $0x2  }
0x1a: {  	s12 =	sshra.s32 s11, $0x2;
	s11 =	sadd.s32 $0x40, s11;
	[tilespmem:v2+s9+$0x0] =	vst.idx.add.f32.msk $0xffff, v1  }
0x1b: {  	v2 =	vld [tilespmem:s12+$0x0];
	_ =	sdelay $0x5  }
0x1c: {  	s10 =	sadd.s32 $0x1, s10  }
0x1d: {  	p0 =	sne.s32 s10, s5  }
.Ltmp2:
0x1e: {  	[tilespmem:v2+s9+$0x0] =	vst.idx.add.f32.msk $0xffff, v1;
	(pc) =	sbr.rel @p0 .LBB2_1-.Ltmp2, $4  }
0x1f: {  	[hbm4b:s4+s6] =	stream.strided.scatter [tilespmem:s9], [sflag:$0x1], $0x2800, s7, s6, $0x38;
	[tilespmem:$0x4F80] =	vst v63  }
0x20: {  	_ =	swait.ge [sflag:s8], $0x2800  }
0x21: {  	[sflag:s8] =	ssyncset.done $0x0  }
0x22: {  	[sflag:s8] =	ssyncadd.s32 $0xFFFFD800  }
0x23: {  	_ =	sfence.sel $0x180000  }
0x24: {  	[bflag:$0x0] =	sbarrier.arrive $0xFFFF  }
0x25: {  	p0 =	sne.s32 s1, $0x0;
	_ =	strace $0x90000047  }
0x26: {  	s0 =	sadd.s32 @!p0 $0x100000, s0;
	[bflag:$0x2] =	sbarrier.arrive $0xFFFF  }
0x27: {  	[sflag:s0] =	ssyncadd.tile.s32 @!p0 $0x1;
	_ =	shalt  }
.Lfunc_end2:
_tile_overlayer_lowered:
.L_overlay_start_2:
0x28: {  	(tag) =	ssettag $0x2  }
0x29: {  	s0 =	rddreg [dreg:$0x0];
	s2 =	stileid.u32  }
0x2a: {  	s1 =	rddreg [dreg:$0x1];
	p0 =	sne.s32 s2, $0x0  }
0x2b: {  	s3 =	rddreg [dreg:$0x2];
	[bflag:$0x3] =	sbarrier.arrive $0xFFFF;
	s2 =	simm.s32 @!p0 $0x1C01  }
0x2c: {  	[timem:s3], [sflag:s2] =	dma.local @!p0 [hbm:s0], s1  }
0x2d: {  	s0 =	simm.s32 @!p0 $0x1  }
0x2e: {  	_ =	swait.ge @!p0 [sflag:s0], s1  }
0x2f: {  	s1 =	ssub.s32 @!p0 $0x0, s1;
	[sflag:s0] =	ssyncset.done @!p0 $0x0  }
0x30: {  	[sflag:s0] =	ssyncadd.s32 @!p0 s1  }
0x31: {  	[bflag:$0x3] =	sbarrier.arrive $0xFFFF  }
0x32: {  	_ =	shalt  }

</sc_bundles>
